<compile_context>
chip_gen: v7x
topology: tpu7x:2x2x1
jax: 0.10.2.dev20260603
libtpu: 0.0.44.dev20260713+nightly
codegen_flags: <defaults>
</compile_context>

<pallas_src>
import functools

import numpy as np

import jax
import jax.numpy as jnp
from jax import lax
from jax.experimental import pallas as pl
from jax.experimental.pallas import tpu as pltpu
from jax.experimental.pallas import tpu_sc as plsc

NC = 2
NS = 16
NW = NC * NS
L = 16

N = 4_000_000
NVEC = N // L
BASE_V = NVEC // NW
EXTRA4 = (NVEC - BASE_V * NW) // 4

CH_V = 1024
CH_E = CH_V * L
NFULL = BASE_V // CH_V
TAIL_LO = BASE_V - NFULL * CH_V
TAIL_HI = TAIL_LO + 4

SENT = 4

TAB = 128

TC_ROWS = N // 128
TC_BLK = 4096
TC_GRID = (TC_ROWS + TC_BLK - 1) // TC_BLK


def _motif_masks():
    m = [np.zeros((TAB,), np.float32) for _ in range(3)]
    for code in range(100):
        x, r = divmod(code, 20)
        y, cur = divmod(r, 4)
        if cur != 1:
            continue
        wx = x in (0, 3)
        ry = y in (0, 2)
        sx = x in (1, 2)
        yy = y in (1, 3)
        if sx and yy:
            m[2][code] = 1.0
        elif wx and ry:
            m[1][code] = 1.0
        else:
            m[0][code] = 1.0
    return m

_M0, _M1, _M2 = _motif_masks()


def _ivec(c):
    return lax.iota(jnp.int32, L) * 0 + c


def _build_table(mp_ref, tab_ref):
    zf = _ivec(0).astype(jnp.float32)
    mp = mp_ref[...]
    p0 = zf + mp[0]
    p1 = zf + mp[1]
    p2 = zf + mp[2]
    for j in range(TAB // L):
        code = lax.iota(jnp.int32, L) + (j * L)
        x = code // 20
        r = code - x * 20
        y = r // 4
        cur = r - y * 4
        wx = (x == 0) | (x == 3)
        ry = (y == 0) | (y == 2)
        sx = (x == 1) | (x == 2)
        yy = (y == 1) | (y == 3)
        val = jnp.where(cur == 1,
                        jnp.where(sx & yy, p2,
                                  jnp.where(wx & ry, p1, p0)),
                        zf)
        tab_ref[pl.ds(j * L, L)] = val


def _worker_layout():
    cid = lax.axis_index("c")
    sid = lax.axis_index("s")
    wid = sid * NC + cid
    start0 = (BASE_V * wid + 4 * jnp.minimum(wid, EXTRA4)) * L
    return wid, start0


def _codes(buf, b):
    c2 = buf[pl.ds(b + 6, L)]
    c1 = buf[pl.ds(b + 7, L)]
    c0 = buf[pl.ds(b + 8, L)]
    return c2 * 20 + c1 * 4 + c0


def _patch_sentinel(buf, wid):
    @pl.when(wid == 0)
    def _():
        idx = lax.iota(jnp.int32, L)
        plsc.store_scatter(buf, (idx,), _ivec(SENT),
                           mask=(idx >= 6) & (idx < 8))


def _start_in(seq_hbm, buf, start, wid, k, sem):
    if k == 0:
        shift = (wid == 0).astype(jnp.int32) * 8
        return pltpu.async_copy(
            seq_hbm.at[pl.ds(start - 8 + shift, CH_E + 8)],
            buf.at[pl.ds(shift, CH_E + 8)], sem)
    return pltpu.async_copy(seq_hbm.at[pl.ds(start - 8, CH_E + 8)],
                            buf.at[pl.ds(0, CH_E + 8)], sem)


def _tail_in(seq_hbm, buf, tail_start, wid):
    @pl.when(wid < EXTRA4)
    def _():
        pltpu.sync_copy(seq_hbm.at[pl.ds(tail_start - 8, TAIL_HI * L + 8)],
                        buf.at[pl.ds(0, TAIL_HI * L + 8)])
    @pl.when(wid >= EXTRA4)
    def _():
        pltpu.sync_copy(seq_hbm.at[pl.ds(tail_start - 8, TAIL_LO * L + 8)],
                        buf.at[pl.ds(0, TAIL_LO * L + 8)])


def _main_pass(seq_hbm, mp_hbm, out_hbm, part_hbm,
               buf0, buf1, obuf0, obuf1, mpv, tabv, accv,
               isem0, isem1, osem0, osem1):
    wid, start0 = _worker_layout()
    bufs = (buf0, buf1)
    obufs = (obuf0, obuf1)
    isems = (isem0, isem1)
    osems = (osem0, osem1)
    pltpu.sync_copy(mp_hbm, mpv.at[pl.ds(0, 3)])

    _patch_sentinel(buf0, wid)
    h_in = {0: _start_in(seq_hbm, buf0, start0, wid, 0, isem0)}
    _build_table(mpv, tabv)

    def make_body(buf, obuf):
        def body(i, acc):
            b = i * (2 * L)
            v0 = plsc.load_gather(tabv, (_codes(buf, b),))
            v1 = plsc.load_gather(tabv, (_codes(buf, b + L),))
            obuf[pl.ds(b, L)] = v0
            obuf[pl.ds(b + L, L)] = v1
            return acc + v0 + v1
        return body

    acc = _ivec(0).astype(jnp.float32)
    h_out = {}
    for k in range(NFULL):
        start = start0 + k * CH_E
        if k + 1 < NFULL:
            h_in[k + 1] = _start_in(seq_hbm, bufs[(k + 1) % 2],
                                    start0 + (k + 1) * CH_E, wid, k + 1,
                                    isems[(k + 1) % 2])
        h_in.pop(k).wait()
        if k - 2 in h_out:
            h_out.pop(k - 2).wait()
        acc = lax.fori_loop(0, CH_V // 2,
                            make_body(bufs[k % 2], obufs[k % 2]), acc)
        h_out[k] = pltpu.async_copy(obufs[k % 2],
                                    out_hbm.at[pl.ds(start, CH_E)],
                                    osems[k % 2])

    tail_start = start0 + NFULL * CH_E
    _tail_in(seq_hbm, buf1, tail_start, wid)
    if NFULL - 2 in h_out:
        h_out.pop(NFULL - 2).wait()
    tail_nv2 = TAIL_LO // 2 + 2 * (wid < EXTRA4).astype(jnp.int32)
    acc = lax.fori_loop(0, tail_nv2, make_body(buf1, obuf1), acc)
    @pl.when(wid < EXTRA4)
    def _():
        pltpu.sync_copy(obuf1.at[pl.ds(0, TAIL_HI * L)],
                        out_hbm.at[pl.ds(tail_start, TAIL_HI * L)])
    @pl.when(wid >= EXTRA4)
    def _():
        pltpu.sync_copy(obuf1.at[pl.ds(0, TAIL_LO * L)],
                        out_hbm.at[pl.ds(tail_start, TAIL_LO * L)])

    accv[...] = acc
    pltpu.sync_copy(accv, part_hbm.at[pl.ds(wid * L, L)])
    for k in sorted(h_out):
        h_out.pop(k).wait()


def _scale_body(part_ref, u_ref, o_ref):
    inv = 1.0 / jnp.sum(part_ref[...])
    o_ref[...] = u_ref[...] * inv


@functools.cache
def _calls():
    mesh = plsc.VectorSubcoreMesh(core_axis_name="c", subcore_axis_name="s",
                                  num_cores=NC, num_subcores=NS)
    main_pass = pl.kernel(
        _main_pass,
        out_type=(jax.ShapeDtypeStruct((N,), jnp.float32),
                  jax.ShapeDtypeStruct((NW * L,), jnp.float32)),
        mesh=mesh,
        scratch_types=[
            pltpu.VMEM((16 + CH_E,), jnp.int32),
            pltpu.VMEM((16 + CH_E,), jnp.int32),
            pltpu.VMEM((CH_E,), jnp.float32),
            pltpu.VMEM((CH_E,), jnp.float32),
            pltpu.VMEM((L,), jnp.float32),
            pltpu.VMEM((TAB,), jnp.float32),
            pltpu.VMEM((L,), jnp.float32),
            pltpu.SemaphoreType.DMA,
            pltpu.SemaphoreType.DMA,
            pltpu.SemaphoreType.DMA,
            pltpu.SemaphoreType.DMA,
        ],
        compiler_params=pltpu.CompilerParams(needs_layout_passes=False),
    )
    scale_pass = pl.pallas_call(
        _scale_body,
        grid=(TC_GRID,),
        in_specs=[
            pl.BlockSpec((NW * L // 128, 128), lambda j: (0, 0)),
            pl.BlockSpec((TC_BLK * 128,), lambda j: (j,)),
        ],
        out_specs=pl.BlockSpec((TC_BLK * 128,), lambda j: (j,)),
        out_shape=jax.ShapeDtypeStruct((N,), jnp.float32),
    )
    return main_pass, scale_pass


def kernel(sequence, motifs_prob):
    main_pass, scale_pass = _calls()
    unnorm, parts = main_pass(sequence, motifs_prob)
    return scale_pass(parts.reshape(NW * L // 128, 128), unnorm)

# --- scband reference (transcript-rebuilt; emitter-appended) ---
"""Pipeline reference for scband-phase1-15564961481242 (READ-ONLY COPY).

The authoritative reference and input builder live on the scoring server;
editing this copy changes nothing except your own understanding.
"""

import jax, jax.numpy as jnp
import numpy as np

# nucleotide codes: 0=A, 1=C, 2=G, 3=T
# motifs and anchors: 'C'->0, 'WRC'->2, 'SYC'->2
# IUPAC: W={A,T}, R={A,G}, S={C,G}, Y={C,T}

N_SEQ = 4000000


def setup_inputs(seed: int = 0) -> dict:
    key = jax.random.key(seed)
    k1, k2 = jax.random.split(key)
    sequence = jax.random.randint(k1, (N_SEQ,), 0, 4, dtype=jnp.int64) if jax.config.jax_enable_x64 else jax.random.randint(k1, (N_SEQ,), 0, 4, dtype=jnp.int32)
    motifs_prob = jax.random.uniform(k2, (3,), dtype=jnp.float32)
    motifs_prob = motifs_prob / motifs_prob.sum()
    return {"sequence": sequence, "motifs_prob": motifs_prob}


def reference(sequence, motifs_prob):
    n = sequence.shape[0]
    isA = sequence == 0
    isC = sequence == 1
    isG = sequence == 2
    isT = sequence == 3
    W = isA | isT
    R = isA | isG
    S = isC | isG
    Y = isC | isT

    targeting_probs = jnp.zeros((n,), dtype=jnp.float32)

    # motif 'C', anchor 0: write prob[0] at every C position (scatter-overwrite)
    targeting_probs = jnp.where(isC, motifs_prob[0], targeting_probs)

    # motif 'WRC', anchor 2: W at i, R at i+1, C at i+2 -> overwrite at i+2
    m_wrc = jnp.zeros((n,), dtype=bool).at[2:].set(W[:-2] & R[1:-1] & isC[2:])
    targeting_probs = jnp.where(m_wrc, motifs_prob[1], targeting_probs)

    # motif 'SYC', anchor 2: S at i, Y at i+1, C at i+2 -> overwrite at i+2
    m_syc = jnp.zeros((n,), dtype=bool).at[2:].set(S[:-2] & Y[1:-1] & isC[2:])
    targeting_probs = jnp.where(m_syc, motifs_prob[2], targeting_probs)

    targeting_probs = targeting_probs / targeting_probs.sum()
    return targeting_probs

if __name__ == "__main__":
    import jax
    _d = setup_inputs()
    print(jax.jit(kernel)(*tuple(_d.values())))

</pallas_src>

<mosaic_0001>
#map = affine_map<(d0, d1) -> (0)>
module attributes {stable_mosaic.version = 14 : i64} {
  func.func @_main_pass(%arg0: i32, %arg1: i32, %arg2: memref<4000000xi32, #tpu.memory_space<hbm>>, %arg3: memref<3xf32, #tpu.memory_space<hbm>>, %arg4: memref<4000000xf32, #tpu.memory_space<hbm>>, %arg5: memref<512xf32, #tpu.memory_space<hbm>>, %arg6: memref<16400xi32, #tpu.memory_space<vmem>>, %arg7: memref<16400xi32, #tpu.memory_space<vmem>>, %arg8: memref<16384xf32, #tpu.memory_space<vmem>>, %arg9: memref<16384xf32, #tpu.memory_space<vmem>>, %arg10: memref<16xf32, #tpu.memory_space<vmem>>, %arg11: memref<128xf32, #tpu.memory_space<vmem>>, %arg12: memref<16xf32, #tpu.memory_space<vmem>>, %arg13: memref<!tpu.dma_semaphore, #tpu.memory_space<semaphore_mem>>, %arg14: memref<!tpu.dma_semaphore, #tpu.memory_space<semaphore_mem>>, %arg15: memref<!tpu.dma_semaphore, #tpu.memory_space<semaphore_mem>>, %arg16: memref<!tpu.dma_semaphore, #tpu.memory_space<semaphore_mem>>) attributes {dimension_semantics = [#tpu.dimension_semantics<core_parallel>, #tpu.dimension_semantics<subcore_parallel>], iteration_bounds = array<i64: 2, 16>, scalar_prefetch = 0 : i64, scratch_operands = 11 : i64, tpu.core_type = #tpu.core_type<sc_vector_subcore>, window_params = [{transform_indices = #map}, {transform_indices = #map}, {transform_indices = #map}, {transform_indices = #map}]} {
    %mul3A = arith.constant 2 : i32
    %mul3A_0 = arith.muli %arg1, %mul3A : i32
    %add3A = arith.addi %mul3A_0, %arg0 : i32
    %mul3A_1 = arith.constant 7812 : i32
    %mul3A_2 = arith.muli %mul3A_1, %add3A : i32
    %min3A = arith.constant 4 : i32
    %min3A_3 = arith.minsi %add3A, %min3A : i32
    %mul3A_4 = arith.constant 4 : i32
    %mul3A_5 = arith.muli %mul3A_4, %min3A_3 : i32
    %add3A_6 = arith.addi %mul3A_2, %mul3A_5 : i32
    %mul3A_7 = arith.constant 16 : i32
    %mul3A_8 = arith.muli %add3A_6, %mul3A_7 : i32
    "tpu.region"() ({
      %run_scoped3A = tpu.sem_alloc : memref<!tpu.dma_semaphore, #tpu.memory_space<semaphore_mem>>
      %dma_start3A_1157 = arith.constant 0 : i32
      %dma_start3A_1158 = tpu.memref_slice %arg10[%dma_start3A_1157] : memref<16xf32, #tpu.memory_space<vmem>> -> memref<3xf32, #tpu.memory_space<vmem>>
      %dma_start3A_1159 = arith.constant 0 : i32
      %dma_start3A_1160 = tpu.memref_slice %arg10[%dma_start3A_1159] : memref<16xf32, #tpu.memory_space<vmem>> -> memref<3xf32, #tpu.memory_space<vmem>>
      tpu.enqueue_dma source(%arg3 : memref<3xf32, #tpu.memory_space<hbm>>) target(%dma_start3A_1160 : memref<3xf32, #tpu.memory_space<vmem>>) target_semaphore(%run_scoped3A : memref<!tpu.dma_semaphore, #tpu.memory_space<semaphore_mem>>)
      %dma_wait3A_1161 = arith.constant 0 : i32
      %dma_wait3A_1162 = tpu.memref_slice %arg10[%dma_wait3A_1161] : memref<16xf32, #tpu.memory_space<vmem>> -> memref<3xf32, #tpu.memory_space<vmem>>
      %dma_wait3A_1163 = arith.constant 0 : i32
      %dma_wait3A_1164 = tpu.memref_slice %arg10[%dma_wait3A_1163] : memref<16xf32, #tpu.memory_space<vmem>> -> memref<3xf32, #tpu.memory_space<vmem>>
      tpu.wait_dma2 semaphore(%run_scoped3A : memref<!tpu.dma_semaphore, #tpu.memory_space<semaphore_mem>>) src(%arg3 : memref<3xf32, #tpu.memory_space<hbm>>) dst(%dma_wait3A_1164 : memref<3xf32, #tpu.memory_space<vmem>>)
      tpu.yield
    }) : () -> ()
    %eq3A = arith.constant 0 : i32
    %eq3A_9 = arith.cmpi eq, %add3A, %eq3A : i32
    %convert_element_type3A = arith.extui %eq3A_9 : i1 to i32
    %cond3A = arith.constant 0 : i32
    %cond3A_10 = arith.cmpi ne, %convert_element_type3A, %cond3A : i32
    scf.if %cond3A_10 {
      %iota3A_1157 = tpu.iota {dimensions = array<i32: 0>} : vector<16xi32>
      %iota3A_1158 = tpu.iota {dimensions = array<i32: 0>} : vector<16xi32>
      %mul3A_1159 = arith.constant 0 : i32
      %mul3A_1160 = vector.broadcast %mul3A_1159 : i32 to vector<16xi32>
      %mul3A_1161 = arith.muli %iota3A_1158, %mul3A_1160 : vector<16xi32>
      %add3A_1162 = arith.constant 4 : i32
      %add3A_1163 = vector.broadcast %add3A_1162 : i32 to vector<16xi32>
      %add3A_1164 = arith.addi %mul3A_1161, %add3A_1163 : vector<16xi32>
      %ge3A_1165 = arith.constant 6 : i32
      %ge3A_1166 = vector.broadcast %ge3A_1165 : i32 to vector<16xi32>
      %ge3A_1167 = arith.cmpi sge, %iota3A_1157, %ge3A_1166 : vector<16xi32>
      %lt3A_1168 = arith.constant 8 : i32
      %lt3A_1169 = vector.broadcast %lt3A_1168 : i32 to vector<16xi32>
      %lt3A_1170 = arith.cmpi slt, %iota3A_1157, %lt3A_1169 : vector<16xi32>
      %and3A_1171 = arith.andi %ge3A_1167, %lt3A_1170 : vector<16xi1>
      tpu.vector_store_idx %arg6[%iota3A_1157], %add3A_1164 masked %and3A_1171 : memref<16400xi32, #tpu.memory_space<vmem>>[vector<16xi32>], vector<16xi32>, vector<16xi1>
    } else {
    }
    %eq3A_11 = arith.constant 0 : i32
    %eq3A_12 = arith.cmpi eq, %add3A, %eq3A_11 : i32
    %convert_element_type3A_13 = arith.extui %eq3A_12 : i1 to i32
    %mul3A_14 = arith.constant 8 : i32
    %mul3A_15 = arith.muli %convert_element_type3A_13, %mul3A_14 : i32
    %sub3A = arith.constant 8 : i32
    %sub3A_16 = arith.subi %mul3A_8, %sub3A : i32
    %add3A_17 = arith.addi %sub3A_16, %mul3A_15 : i32
    %dma_start3A = tpu.memref_slice %arg6[%mul3A_15] : memref<16400xi32, #tpu.memory_space<vmem>> -> memref<16392xi32, #tpu.memory_space<vmem>>
    %dma_start3A_18 = tpu.memref_slice %arg2[%add3A_17] : memref<4000000xi32, #tpu.memory_space<hbm>> -> memref<16392xi32, #tpu.memory_space<hbm>>
    %dma_start3A_19 = tpu.memref_slice %arg6[%mul3A_15] : memref<16400xi32, #tpu.memory_space<vmem>> -> memref<16392xi32, #tpu.memory_space<vmem>>
    %dma_start3A_20 = tpu.memref_slice %arg2[%add3A_17] : memref<4000000xi32, #tpu.memory_space<hbm>> -> memref<16392xi32, #tpu.memory_space<hbm>>
    tpu.enqueue_dma source(%dma_start3A_20 : memref<16392xi32, #tpu.memory_space<hbm>>) target(%dma_start3A_19 : memref<16392xi32, #tpu.memory_space<vmem>>) target_semaphore(%arg13 : memref<!tpu.dma_semaphore, #tpu.memory_space<semaphore_mem>>)
    %iota3A = tpu.iota {dimensions = array<i32: 0>} : vector<16xi32>
    %mul3A_21 = arith.constant 0 : i32
    %mul3A_22 = vector.broadcast %mul3A_21 : i32 to vector<16xi32>
    %mul3A_23 = arith.muli %iota3A, %mul3A_22 : vector<16xi32>
    %add3A_24 = arith.constant 0 : i32
    %add3A_25 = vector.broadcast %add3A_24 : i32 to vector<16xi32>
    %add3A_26 = arith.addi %mul3A_23, %add3A_25 : vector<16xi32>
    %convert_element_type3A_27 = arith.sitofp %add3A_26 : vector<16xi32> to vector<16xf32>
    %get3A = arith.constant 0 : index
    %get3A_28 = tpu.vector_load %arg10[%get3A] {strides = array<i32>} : memref<16xf32, #tpu.memory_space<vmem>>, vector<16xf32>,
    %slice3A = vector.extract_strided_slice %get3A_28 {offsets = [0], sizes = [1], strides = [1]} : vector<16xf32> to vector<1xf32>
    %squeeze3A = vector.extract %slice3A[0] : f32 from vector<1xf32>
    %add3A_29 = vector.broadcast %squeeze3A : f32 to vector<16xf32>
    %add3A_30 = arith.addf %convert_element_type3A_27, %add3A_29 : vector<16xf32>
    %slice3A_31 = vector.extract_strided_slice %get3A_28 {offsets = [1], sizes = [1], strides = [1]} : vector<16xf32> to vector<1xf32>
    %squeeze3A_32 = vector.extract %slice3A_31[0] : f32 from vector<1xf32>
    %add3A_33 = vector.broadcast %squeeze3A_32 : f32 to vector<16xf32>
    %add3A_34 = arith.addf %convert_element_type3A_27, %add3A_33 : vector<16xf32>
    %slice3A_35 = vector.extract_strided_slice %get3A_28 {offsets = [2], sizes = [1], strides = [1]} : vector<16xf32> to vector<1xf32>
    %squeeze3A_36 = vector.extract %slice3A_35[0] : f32 from vector<1xf32>
    %add3A_37 = vector.broadcast %squeeze3A_36 : f32 to vector<16xf32>
    %add3A_38 = arith.addf %convert_element_type3A_27, %add3A_37 : vector<16xf32>
    %iota3A_39 = tpu.iota {dimensions = array<i32: 0>} : vector<16xi32>
    %add3A_40 = arith.constant 0 : i32
    %add3A_41 = vector.broadcast %add3A_40 : i32 to vector<16xi32>
    %add3A_42 = arith.addi %iota3A_39, %add3A_41 : vector<16xi32>
    %jit3A = arith.constant 20 : i32
    %div3A = vector.broadcast %jit3A : i32 to vector<16xi32>
    %div3A_43 = arith.divsi %add3A_42, %div3A : vector<16xi32>
    %sign3A = arith.constant 0 : i32
    %sign3A_44 = vector.broadcast %sign3A : i32 to vector<16xi32>
    %sign3A_45 = arith.cmpi sgt, %add3A_42, %sign3A_44 : vector<16xi32>
    %sign3A_46 = arith.extui %sign3A_45 : vector<16xi1> to vector<16xi32>
    %sign3A_47 = arith.constant 0 : i32
    %sign3A_48 = vector.broadcast %sign3A_47 : i32 to vector<16xi32>
    %sign3A_49 = arith.cmpi slt, %add3A_42, %sign3A_48 : vector<16xi32>
    %sign3A_50 = arith.extui %sign3A_49 : vector<16xi1> to vector<16xi32>
    %sign3A_51 = arith.subi %sign3A_46, %sign3A_50 : vector<16xi32>
    %sign3A_52 = arith.constant 0 : i32
    %sign3A_53 = arith.cmpi sgt, %jit3A, %sign3A_52 : i32
    %sign3A_54 = arith.extui %sign3A_53 : i1 to i32
    %sign3A_55 = arith.constant 0 : i32
    %sign3A_56 = arith.cmpi slt, %jit3A, %sign3A_55 : i32
    %sign3A_57 = arith.extui %sign3A_56 : i1 to i32
    %sign3A_58 = arith.subi %sign3A_54, %sign3A_57 : i32
    %ne3A = vector.broadcast %sign3A_58 : i32 to vector<16xi32>
    %ne3A_59 = arith.cmpi ne, %sign3A_51, %ne3A : vector<16xi32>
    %rem3A = vector.broadcast %jit3A : i32 to vector<16xi32>
    %rem3A_60 = arith.remsi %add3A_42, %rem3A : vector<16xi32>
    %ne3A_61 = arith.constant 0 : i32
    %ne3A_62 = vector.broadcast %ne3A_61 : i32 to vector<16xi32>
    %ne3A_63 = arith.cmpi ne, %rem3A_60, %ne3A_62 : vector<16xi32>
    %and3A = arith.andi %ne3A_59, %ne3A_63 : vector<16xi1>
    %sub3A_64 = arith.constant 1 : i32
    %sub3A_65 = vector.broadcast %sub3A_64 : i32 to vector<16xi32>
    %sub3A_66 = arith.subi %div3A_43, %sub3A_65 : vector<16xi32>
    %select_n3A = arith.select %and3A, %sub3A_66, %div3A_43 : vector<16xi1>, vector<16xi32>
    %mul3A_67 = arith.constant 20 : i32
    %mul3A_68 = vector.broadcast %mul3A_67 : i32 to vector<16xi32>
    %mul3A_69 = arith.muli %select_n3A, %mul3A_68 : vector<16xi32>
    %sub3A_70 = arith.subi %add3A_42, %mul3A_69 : vector<16xi32>
    %jit3A_71 = arith.constant 4 : i32
    %div3A_72 = vector.broadcast %jit3A_71 : i32 to vector<16xi32>
    %div3A_73 = arith.divsi %sub3A_70, %div3A_72 : vector<16xi32>
    %sign3A_74 = arith.constant 0 : i32
    %sign3A_75 = vector.broadcast %sign3A_74 : i32 to vector<16xi32>
    %sign3A_76 = arith.cmpi sgt, %sub3A_70, %sign3A_75 : vector<16xi32>
    %sign3A_77 = arith.extui %sign3A_76 : vector<16xi1> to vector<16xi32>
    %sign3A_78 = arith.constant 0 : i32
    %sign3A_79 = vector.broadcast %sign3A_78 : i32 to vector<16xi32>
    %sign3A_80 = arith.cmpi slt, %sub3A_70, %sign3A_79 : vector<16xi32>
    %sign3A_81 = arith.extui %sign3A_80 : vector<16xi1> to vector<16xi32>
    %sign3A_82 = arith.subi %sign3A_77, %sign3A_81 : vector<16xi32>
    %sign3A_83 = arith.constant 0 : i32
    %sign3A_84 = arith.cmpi sgt, %jit3A_71, %sign3A_83 : i32
    %sign3A_85 = arith.extui %sign3A_84 : i1 to i32
    %sign3A_86 = arith.constant 0 : i32
    %sign3A_87 = arith.cmpi slt, %jit3A_71, %sign3A_86 : i32
    %sign3A_88 = arith.extui %sign3A_87 : i1 to i32
    %sign3A_89 = arith.subi %sign3A_85, %sign3A_88 : i32
    %ne3A_90 = vector.broadcast %sign3A_89 : i32 to vector<16xi32>
    %ne3A_91 = arith.cmpi ne, %sign3A_82, %ne3A_90 : vector<16xi32>
    %rem3A_92 = vector.broadcast %jit3A_71 : i32 to vector<16xi32>
    %rem3A_93 = arith.remsi %sub3A_70, %rem3A_92 : vector<16xi32>
    %ne3A_94 = arith.constant 0 : i32
    %ne3A_95 = vector.broadcast %ne3A_94 : i32 to vector<16xi32>
    %ne3A_96 = arith.cmpi ne, %rem3A_93, %ne3A_95 : vector<16xi32>
    %and3A_97 = arith.andi %ne3A_91, %ne3A_96 : vector<16xi1>
    %sub3A_98 = arith.constant 1 : i32
    %sub3A_99 = vector.broadcast %sub3A_98 : i32 to vector<16xi32>
    %sub3A_100 = arith.subi %div3A_73, %sub3A_99 : vector<16xi32>
    %select_n3A_101 = arith.select %and3A_97, %sub3A_100, %div3A_73 : vector<16xi1>, vector<16xi32>
    %mul3A_102 = arith.constant 4 : i32
    %mul3A_103 = vector.broadcast %mul3A_102 : i32 to vector<16xi32>
    %mul3A_104 = arith.muli %select_n3A_101, %mul3A_103 : vector<16xi32>
    %sub3A_105 = arith.subi %sub3A_70, %mul3A_104 : vector<16xi32>
    %eq3A_106 = arith.constant 0 : i32
    %eq3A_107 = vector.broadcast %eq3A_106 : i32 to vector<16xi32>
    %eq3A_108 = arith.cmpi eq, %select_n3A, %eq3A_107 : vector<16xi32>
    %eq3A_109 = arith.constant 3 : i32
    %eq3A_110 = vector.broadcast %eq3A_109 : i32 to vector<16xi32>
    %eq3A_111 = arith.cmpi eq, %select_n3A, %eq3A_110 : vector<16xi32>
    %or3A = arith.ori %eq3A_108, %eq3A_111 : vector<16xi1>
    %eq3A_112 = arith.constant 0 : i32
    %eq3A_113 = vector.broadcast %eq3A_112 : i32 to vector<16xi32>
    %eq3A_114 = arith.cmpi eq, %select_n3A_101, %eq3A_113 : vector<16xi32>
    %eq3A_115 = arith.constant 2 : i32
    %eq3A_116 = vector.broadcast %eq3A_115 : i32 to vector<16xi32>
    %eq3A_117 = arith.cmpi eq, %select_n3A_101, %eq3A_116 : vector<16xi32>
    %or3A_118 = arith.ori %eq3A_114, %eq3A_117 : vector<16xi1>
    %eq3A_119 = arith.constant 1 : i32
    %eq3A_120 = vector.broadcast %eq3A_119 : i32 to vector<16xi32>
    %eq3A_121 = arith.cmpi eq, %select_n3A, %eq3A_120 : vector<16xi32>
    %eq3A_122 = arith.constant 2 : i32
    %eq3A_123 = vector.broadcast %eq3A_122 : i32 to vector<16xi32>
    %eq3A_124 = arith.cmpi eq, %select_n3A, %eq3A_123 : vector<16xi32>
    %or3A_125 = arith.ori %eq3A_121, %eq3A_124 : vector<16xi1>
    %eq3A_126 = arith.constant 1 : i32
    %eq3A_127 = vector.broadcast %eq3A_126 : i32 to vector<16xi32>
    %eq3A_128 = arith.cmpi eq, %select_n3A_101, %eq3A_127 : vector<16xi32>
    %eq3A_129 = arith.constant 3 : i32
    %eq3A_130 = vector.broadcast %eq3A_129 : i32 to vector<16xi32>
    %eq3A_131 = arith.cmpi eq, %select_n3A_101, %eq3A_130 : vector<16xi32>
    %or3A_132 = arith.ori %eq3A_128, %eq3A_131 : vector<16xi1>
    %eq3A_133 = arith.constant 1 : i32
    %eq3A_134 = vector.broadcast %eq3A_133 : i32 to vector<16xi32>
    %eq3A_135 = arith.cmpi eq, %sub3A_105, %eq3A_134 : vector<16xi32>
    %and3A_136 = arith.andi %or3A_125, %or3A_132 : vector<16xi1>
    %and3A_137 = arith.andi %or3A, %or3A_118 : vector<16xi1>
    %select_n3A_138 = arith.select %and3A_137, %add3A_34, %add3A_30 : vector<16xi1>, vector<16xf32>
    %select_n3A_139 = arith.select %and3A_136, %add3A_38, %select_n3A_138 : vector<16xi1>, vector<16xf32>
    %select_n3A_140 = arith.select %eq3A_135, %select_n3A_139, %convert_element_type3A_27 : vector<16xi1>, vector<16xf32>
    %swap3A = arith.constant 0 : index
    %swap3A_141 = tpu.vector_load %arg11[%swap3A] {strides = array<i32>} : memref<128xf32, #tpu.memory_space<vmem>>, vector<16xf32>,
    tpu.vector_store %arg11[%swap3A], %select_n3A_140 {strides = array<i32>} : memref<128xf32, #tpu.memory_space<vmem>>, vector<16xf32>,
    %iota3A_142 = tpu.iota {dimensions = array<i32: 0>} : vector<16xi32>
    %add3A_143 = arith.constant 16 : i32
    %add3A_144 = vector.broadcast %add3A_143 : i32 to vector<16xi32>
    %add3A_145 = arith.addi %iota3A_142, %add3A_144 : vector<16xi32>
    %jit3A_146 = arith.constant 20 : i32
    %div3A_147 = vector.broadcast %jit3A_146 : i32 to vector<16xi32>
    %div3A_148 = arith.divsi %add3A_145, %div3A_147 : vector<16xi32>
    %sign3A_149 = arith.constant 0 : i32
    %sign3A_150 = vector.broadcast %sign3A_149 : i32 to vector<16xi32>
    %sign3A_151 = arith.cmpi sgt, %add3A_145, %sign3A_150 : vector<16xi32>
    %sign3A_152 = arith.extui %sign3A_151 : vector<16xi1> to vector<16xi32>
    %sign3A_153 = arith.constant 0 : i32
    %sign3A_154 = vector.broadcast %sign3A_153 : i32 to vector<16xi32>
    %sign3A_155 = arith.cmpi slt, %add3A_145, %sign3A_154 : vector<16xi32>
    %sign3A_156 = arith.extui %sign3A_155 : vector<16xi1> to vector<16xi32>
    %sign3A_157 = arith.subi %sign3A_152, %sign3A_156 : vector<16xi32>
    %sign3A_158 = arith.constant 0 : i32
    %sign3A_159 = arith.cmpi sgt, %jit3A_146, %sign3A_158 : i32
    %sign3A_160 = arith.extui %sign3A_159 : i1 to i32
    %sign3A_161 = arith.constant 0 : i32
    %sign3A_162 = arith.cmpi slt, %jit3A_146, %sign3A_161 : i32
    %sign3A_163 = arith.extui %sign3A_162 : i1 to i32
    %sign3A_164 = arith.subi %sign3A_160, %sign3A_163 : i32
    %ne3A_165 = vector.broadcast %sign3A_164 : i32 to vector<16xi32>
    %ne3A_166 = arith.cmpi ne, %sign3A_157, %ne3A_165 : vector<16xi32>
    %rem3A_167 = vector.broadcast %jit3A_146 : i32 to vector<16xi32>
    %rem3A_168 = arith.remsi %add3A_145, %rem3A_167 : vector<16xi32>
    %ne3A_169 = arith.constant 0 : i32
    %ne3A_170 = vector.broadcast %ne3A_169 : i32 to vector<16xi32>
    %ne3A_171 = arith.cmpi ne, %rem3A_168, %ne3A_170 : vector<16xi32>
    %and3A_172 = arith.andi %ne3A_166, %ne3A_171 : vector<16xi1>
    %sub3A_173 = arith.constant 1 : i32
    %sub3A_174 = vector.broadcast %sub3A_173 : i32 to vector<16xi32>
    %sub3A_175 = arith.subi %div3A_148, %sub3A_174 : vector<16xi32>
    %select_n3A_176 = arith.select %and3A_172, %sub3A_175, %div3A_148 : vector<16xi1>, vector<16xi32>
    %mul3A_177 = arith.constant 20 : i32
    %mul3A_178 = vector.broadcast %mul3A_177 : i32 to vector<16xi32>
    %mul3A_179 = arith.muli %select_n3A_176, %mul3A_178 : vector<16xi32>
    %sub3A_180 = arith.subi %add3A_145, %mul3A_179 : vector<16xi32>
    %jit3A_181 = arith.constant 4 : i32
    %div3A_182 = vector.broadcast %jit3A_181 : i32 to vector<16xi32>
    %div3A_183 = arith.divsi %sub3A_180, %div3A_182 : vector<16xi32>
    %sign3A_184 = arith.constant 0 : i32
    %sign3A_185 = vector.broadcast %sign3A_184 : i32 to vector<16xi32>
    %sign3A_186 = arith.cmpi sgt, %sub3A_180, %sign3A_185 : vector<16xi32>
    %sign3A_187 = arith.extui %sign3A_186 : vector<16xi1> to vector<16xi32>
    %sign3A_188 = arith.constant 0 : i32
    %sign3A_189 = vector.broadcast %sign3A_188 : i32 to vector<16xi32>
    %sign3A_190 = arith.cmpi slt, %sub3A_180, %sign3A_189 : vector<16xi32>
    %sign3A_191 = arith.extui %sign3A_190 : vector<16xi1> to vector<16xi32>
    %sign3A_192 = arith.subi %sign3A_187, %sign3A_191 : vector<16xi32>
    %sign3A_193 = arith.constant 0 : i32
    %sign3A_194 = arith.cmpi sgt, %jit3A_181, %sign3A_193 : i32
    %sign3A_195 = arith.extui %sign3A_194 : i1 to i32
    %sign3A_196 = arith.constant 0 : i32
    %sign3A_197 = arith.cmpi slt, %jit3A_181, %sign3A_196 : i32
    %sign3A_198 = arith.extui %sign3A_197 : i1 to i32
    %sign3A_199 = arith.subi %sign3A_195, %sign3A_198 : i32
    %ne3A_200 = vector.broadcast %sign3A_199 : i32 to vector<16xi32>
    %ne3A_201 = arith.cmpi ne, %sign3A_192, %ne3A_200 : vector<16xi32>
    %rem3A_202 = vector.broadcast %jit3A_181 : i32 to vector<16xi32>
    %rem3A_203 = arith.remsi %sub3A_180, %rem3A_202 : vector<16xi32>
    %ne3A_204 = arith.constant 0 : i32
    %ne3A_205 = vector.broadcast %ne3A_204 : i32 to vector<16xi32>
    %ne3A_206 = arith.cmpi ne, %rem3A_203, %ne3A_205 : vector<16xi32>
    %and3A_207 = arith.andi %ne3A_201, %ne3A_206 : vector<16xi1>
    %sub3A_208 = arith.constant 1 : i32
    %sub3A_209 = vector.broadcast %sub3A_208 : i32 to vector<16xi32>
    %sub3A_210 = arith.subi %div3A_183, %sub3A_209 : vector<16xi32>
    %select_n3A_211 = arith.select %and3A_207, %sub3A_210, %div3A_183 : vector<16xi1>, vector<16xi32>
    %mul3A_212 = arith.constant 4 : i32
    %mul3A_213 = vector.broadcast %mul3A_212 : i32 to vector<16xi32>
    %mul3A_214 = arith.muli %select_n3A_211, %mul3A_213 : vector<16xi32>
    %sub3A_215 = arith.subi %sub3A_180, %mul3A_214 : vector<16xi32>
    %eq3A_216 = arith.constant 0 : i32
    %eq3A_217 = vector.broadcast %eq3A_216 : i32 to vector<16xi32>
    %eq3A_218 = arith.cmpi eq, %select_n3A_176, %eq3A_217 : vector<16xi32>
    %eq3A_219 = arith.constant 3 : i32
    %eq3A_220 = vector.broadcast %eq3A_219 : i32 to vector<16xi32>
    %eq3A_221 = arith.cmpi eq, %select_n3A_176, %eq3A_220 : vector<16xi32>
    %or3A_222 = arith.ori %eq3A_218, %eq3A_221 : vector<16xi1>
    %eq3A_223 = arith.constant 0 : i32
    %eq3A_224 = vector.broadcast %eq3A_223 : i32 to vector<16xi32>
    %eq3A_225 = arith.cmpi eq, %select_n3A_211, %eq3A_224 : vector<16xi32>
    %eq3A_226 = arith.constant 2 : i32
    %eq3A_227 = vector.broadcast %eq3A_226 : i32 to vector<16xi32>
    %eq3A_228 = arith.cmpi eq, %select_n3A_211, %eq3A_227 : vector<16xi32>
    %or3A_229 = arith.ori %eq3A_225, %eq3A_228 : vector<16xi1>
    %eq3A_230 = arith.constant 1 : i32
    %eq3A_231 = vector.broadcast %eq3A_230 : i32 to vector<16xi32>
    %eq3A_232 = arith.cmpi eq, %select_n3A_176, %eq3A_231 : vector<16xi32>
    %eq3A_233 = arith.constant 2 : i32
    %eq3A_234 = vector.broadcast %eq3A_233 : i32 to vector<16xi32>
    %eq3A_235 = arith.cmpi eq, %select_n3A_176, %eq3A_234 : vector<16xi32>
    %or3A_236 = arith.ori %eq3A_232, %eq3A_235 : vector<16xi1>
    %eq3A_237 = arith.constant 1 : i32
    %eq3A_238 = vector.broadcast %eq3A_237 : i32 to vector<16xi32>
    %eq3A_239 = arith.cmpi eq, %select_n3A_211, %eq3A_238 : vector<16xi32>
    %eq3A_240 = arith.constant 3 : i32
    %eq3A_241 = vector.broadcast %eq3A_240 : i32 to vector<16xi32>
    %eq3A_242 = arith.cmpi eq, %select_n3A_211, %eq3A_241 : vector<16xi32>
    %or3A_243 = arith.ori %eq3A_239, %eq3A_242 : vector<16xi1>
    %eq3A_244 = arith.constant 1 : i32
    %eq3A_245 = vector.broadcast %eq3A_244 : i32 to vector<16xi32>
    %eq3A_246 = arith.cmpi eq, %sub3A_215, %eq3A_245 : vector<16xi32>
    %and3A_247 = arith.andi %or3A_236, %or3A_243 : vector<16xi1>
    %and3A_248 = arith.andi %or3A_222, %or3A_229 : vector<16xi1>
    %select_n3A_249 = arith.select %and3A_248, %add3A_34, %add3A_30 : vector<16xi1>, vector<16xf32>
    %select_n3A_250 = arith.select %and3A_247, %add3A_38, %select_n3A_249 : vector<16xi1>, vector<16xf32>
    %select_n3A_251 = arith.select %eq3A_246, %select_n3A_250, %convert_element_type3A_27 : vector<16xi1>, vector<16xf32>
    %swap3A_252 = arith.constant 16 : index
    %swap3A_253 = tpu.vector_load %arg11[%swap3A_252] {strides = array<i32>} : memref<128xf32, #tpu.memory_space<vmem>>, vector<16xf32>,
    tpu.vector_store %arg11[%swap3A_252], %select_n3A_251 {strides = array<i32>} : memref<128xf32, #tpu.memory_space<vmem>>, vector<16xf32>,
    %iota3A_254 = tpu.iota {dimensions = array<i32: 0>} : vector<16xi32>
    %add3A_255 = arith.constant 32 : i32
    %add3A_256 = vector.broadcast %add3A_255 : i32 to vector<16xi32>
    %add3A_257 = arith.addi %iota3A_254, %add3A_256 : vector<16xi32>
    %jit3A_258 = arith.constant 20 : i32
    %div3A_259 = vector.broadcast %jit3A_258 : i32 to vector<16xi32>
    %div3A_260 = arith.divsi %add3A_257, %div3A_259 : vector<16xi32>
    %sign3A_261 = arith.constant 0 : i32
    %sign3A_262 = vector.broadcast %sign3A_261 : i32 to vector<16xi32>
    %sign3A_263 = arith.cmpi sgt, %add3A_257, %sign3A_262 : vector<16xi32>
    %sign3A_264 = arith.extui %sign3A_263 : vector<16xi1> to vector<16xi32>
    %sign3A_265 = arith.constant 0 : i32
    %sign3A_266 = vector.broadcast %sign3A_265 : i32 to vector<16xi32>
    %sign3A_267 = arith.cmpi slt, %add3A_257, %sign3A_266 : vector<16xi32>
    %sign3A_268 = arith.extui %sign3A_267 : vector<16xi1> to vector<16xi32>
    %sign3A_269 = arith.subi %sign3A_264, %sign3A_268 : vector<16xi32>
    %sign3A_270 = arith.constant 0 : i32
    %sign3A_271 = arith.cmpi sgt, %jit3A_258, %sign3A_270 : i32
    %sign3A_272 = arith.extui %sign3A_271 : i1 to i32
    %sign3A_273 = arith.constant 0 : i32
    %sign3A_274 = arith.cmpi slt, %jit3A_258, %sign3A_273 : i32
    %sign3A_275 = arith.extui %sign3A_274 : i1 to i32
    %sign3A_276 = arith.subi %sign3A_272, %sign3A_275 : i32
    %ne3A_277 = vector.broadcast %sign3A_276 : i32 to vector<16xi32>
    %ne3A_278 = arith.cmpi ne, %sign3A_269, %ne3A_277 : vector<16xi32>
    %rem3A_279 = vector.broadcast %jit3A_258 : i32 to vector<16xi32>
    %rem3A_280 = arith.remsi %add3A_257, %rem3A_279 : vector<16xi32>
    %ne3A_281 = arith.constant 0 : i32
    %ne3A_282 = vector.broadcast %ne3A_281 : i32 to vector<16xi32>
    %ne3A_283 = arith.cmpi ne, %rem3A_280, %ne3A_282 : vector<16xi32>
    %and3A_284 = arith.andi %ne3A_278, %ne3A_283 : vector<16xi1>
    %sub3A_285 = arith.constant 1 : i32
    %sub3A_286 = vector.broadcast %sub3A_285 : i32 to vector<16xi32>
    %sub3A_287 = arith.subi %div3A_260, %sub3A_286 : vector<16xi32>
    %select_n3A_288 = arith.select %and3A_284, %sub3A_287, %div3A_260 : vector<16xi1>, vector<16xi32>
    %mul3A_289 = arith.constant 20 : i32
    %mul3A_290 = vector.broadcast %mul3A_289 : i32 to vector<16xi32>
    %mul3A_291 = arith.muli %select_n3A_288, %mul3A_290 : vector<16xi32>
    %sub3A_292 = arith.subi %add3A_257, %mul3A_291 : vector<16xi32>
    %jit3A_293 = arith.constant 4 : i32
    %div3A_294 = vector.broadcast %jit3A_293 : i32 to vector<16xi32>
    %div3A_295 = arith.divsi %sub3A_292, %div3A_294 : vector<16xi32>
    %sign3A_296 = arith.constant 0 : i32
    %sign3A_297 = vector.broadcast %sign3A_296 : i32 to vector<16xi32>
    %sign3A_298 = arith.cmpi sgt, %sub3A_292, %sign3A_297 : vector<16xi32>
    %sign3A_299 = arith.extui %sign3A_298 : vector<16xi1> to vector<16xi32>
    %sign3A_300 = arith.constant 0 : i32
    %sign3A_301 = vector.broadcast %sign3A_300 : i32 to vector<16xi32>
    %sign3A_302 = arith.cmpi slt, %sub3A_292, %sign3A_301 : vector<16xi32>
    %sign3A_303 = arith.extui %sign3A_302 : vector<16xi1> to vector<16xi32>
    %sign3A_304 = arith.subi %sign3A_299, %sign3A_303 : vector<16xi32>
    %sign3A_305 = arith.constant 0 : i32
    %sign3A_306 = arith.cmpi sgt, %jit3A_293, %sign3A_305 : i32
    %sign3A_307 = arith.extui %sign3A_306 : i1 to i32
    %sign3A_308 = arith.constant 0 : i32
    %sign3A_309 = arith.cmpi slt, %jit3A_293, %sign3A_308 : i32
    %sign3A_310 = arith.extui %sign3A_309 : i1 to i32
    %sign3A_311 = arith.subi %sign3A_307, %sign3A_310 : i32
    %ne3A_312 = vector.broadcast %sign3A_311 : i32 to vector<16xi32>
    %ne3A_313 = arith.cmpi ne, %sign3A_304, %ne3A_312 : vector<16xi32>
    %rem3A_314 = vector.broadcast %jit3A_293 : i32 to vector<16xi32>
    %rem3A_315 = arith.remsi %sub3A_292, %rem3A_314 : vector<16xi32>
    %ne3A_316 = arith.constant 0 : i32
    %ne3A_317 = vector.broadcast %ne3A_316 : i32 to vector<16xi32>
    %ne3A_318 = arith.cmpi ne, %rem3A_315, %ne3A_317 : vector<16xi32>
    %and3A_319 = arith.andi %ne3A_313, %ne3A_318 : vector<16xi1>
    %sub3A_320 = arith.constant 1 : i32
    %sub3A_321 = vector.broadcast %sub3A_320 : i32 to vector<16xi32>
    %sub3A_322 = arith.subi %div3A_295, %sub3A_321 : vector<16xi32>
    %select_n3A_323 = arith.select %and3A_319, %sub3A_322, %div3A_295 : vector<16xi1>, vector<16xi32>
    %mul3A_324 = arith.constant 4 : i32
    %mul3A_325 = vector.broadcast %mul3A_324 : i32 to vector<16xi32>
    %mul3A_326 = arith.muli %select_n3A_323, %mul3A_325 : vector<16xi32>
    %sub3A_327 = arith.subi %sub3A_292, %mul3A_326 : vector<16xi32>
    %eq3A_328 = arith.constant 0 : i32
    %eq3A_329 = vector.broadcast %eq3A_328 : i32 to vector<16xi32>
    %eq3A_330 = arith.cmpi eq, %select_n3A_288, %eq3A_329 : vector<16xi32>
    %eq3A_331 = arith.constant 3 : i32
    %eq3A_332 = vector.broadcast %eq3A_331 : i32 to vector<16xi32>
    %eq3A_333 = arith.cmpi eq, %select_n3A_288, %eq3A_332 : vector<16xi32>
    %or3A_334 = arith.ori %eq3A_330, %eq3A_333 : vector<16xi1>
    %eq3A_335 = arith.constant 0 : i32
    %eq3A_336 = vector.broadcast %eq3A_335 : i32 to vector<16xi32>
    %eq3A_337 = arith.cmpi eq, %select_n3A_323, %eq3A_336 : vector<16xi32>
    %eq3A_338 = arith.constant 2 : i32
    %eq3A_339 = vector.broadcast %eq3A_338 : i32 to vector<16xi32>
    %eq3A_340 = arith.cmpi eq, %select_n3A_323, %eq3A_339 : vector<16xi32>
    %or3A_341 = arith.ori %eq3A_337, %eq3A_340 : vector<16xi1>
    %eq3A_342 = arith.constant 1 : i32
    %eq3A_343 = vector.broadcast %eq3A_342 : i32 to vector<16xi32>
    %eq3A_344 = arith.cmpi eq, %select_n3A_288, %eq3A_343 : vector<16xi32>
    %eq3A_345 = arith.constant 2 : i32
    %eq3A_346 = vector.broadcast %eq3A_345 : i32 to vector<16xi32>
    %eq3A_347 = arith.cmpi eq, %select_n3A_288, %eq3A_346 : vector<16xi32>
    %or3A_348 = arith.ori %eq3A_344, %eq3A_347 : vector<16xi1>
    %eq3A_349 = arith.constant 1 : i32
    %eq3A_350 = vector.broadcast %eq3A_349 : i32 to vector<16xi32>
    %eq3A_351 = arith.cmpi eq, %select_n3A_323, %eq3A_350 : vector<16xi32>
    %eq3A_352 = arith.constant 3 : i32
    %eq3A_353 = vector.broadcast %eq3A_352 : i32 to vector<16xi32>
    %eq3A_354 = arith.cmpi eq, %select_n3A_323, %eq3A_353 : vector<16xi32>
    %or3A_355 = arith.ori %eq3A_351, %eq3A_354 : vector<16xi1>
    %eq3A_356 = arith.constant 1 : i32
    %eq3A_357 = vector.broadcast %eq3A_356 : i32 to vector<16xi32>
    %eq3A_358 = arith.cmpi eq, %sub3A_327, %eq3A_357 : vector<16xi32>
    %and3A_359 = arith.andi %or3A_348, %or3A_355 : vector<16xi1>
    %and3A_360 = arith.andi %or3A_334, %or3A_341 : vector<16xi1>
    %select_n3A_361 = arith.select %and3A_360, %add3A_34, %add3A_30 : vector<16xi1>, vector<16xf32>
    %select_n3A_362 = arith.select %and3A_359, %add3A_38, %select_n3A_361 : vector<16xi1>, vector<16xf32>
    %select_n3A_363 = arith.select %eq3A_358, %select_n3A_362, %convert_element_type3A_27 : vector<16xi1>, vector<16xf32>
    %swap3A_364 = arith.constant 32 : index
    %swap3A_365 = tpu.vector_load %arg11[%swap3A_364] {strides = array<i32>} : memref<128xf32, #tpu.memory_space<vmem>>, vector<16xf32>,
    tpu.vector_store %arg11[%swap3A_364], %select_n3A_363 {strides = array<i32>} : memref<128xf32, #tpu.memory_space<vmem>>, vector<16xf32>,
    %iota3A_366 = tpu.iota {dimensions = array<i32: 0>} : vector<16xi32>
    %add3A_367 = arith.constant 48 : i32
    %add3A_368 = vector.broadcast %add3A_367 : i32 to vector<16xi32>
    %add3A_369 = arith.addi %iota3A_366, %add3A_368 : vector<16xi32>
    %jit3A_370 = arith.constant 20 : i32
    %div3A_371 = vector.broadcast %jit3A_370 : i32 to vector<16xi32>
    %div3A_372 = arith.divsi %add3A_369, %div3A_371 : vector<16xi32>
    %sign3A_373 = arith.constant 0 : i32
    %sign3A_374 = vector.broadcast %sign3A_373 : i32 to vector<16xi32>
    %sign3A_375 = arith.cmpi sgt, %add3A_369, %sign3A_374 : vector<16xi32>
    %sign3A_376 = arith.extui %sign3A_375 : vector<16xi1> to vector<16xi32>
    %sign3A_377 = arith.constant 0 : i32
    %sign3A_378 = vector.broadcast %sign3A_377 : i32 to vector<16xi32>
    %sign3A_379 = arith.cmpi slt, %add3A_369, %sign3A_378 : vector<16xi32>
    %sign3A_380 = arith.extui %sign3A_379 : vector<16xi1> to vector<16xi32>
    %sign3A_381 = arith.subi %sign3A_376, %sign3A_380 : vector<16xi32>
    %sign3A_382 = arith.constant 0 : i32
    %sign3A_383 = arith.cmpi sgt, %jit3A_370, %sign3A_382 : i32
    %sign3A_384 = arith.extui %sign3A_383 : i1 to i32
    %sign3A_385 = arith.constant 0 : i32
    %sign3A_386 = arith.cmpi slt, %jit3A_370, %sign3A_385 : i32
    %sign3A_387 = arith.extui %sign3A_386 : i1 to i32
    %sign3A_388 = arith.subi %sign3A_384, %sign3A_387 : i32
    %ne3A_389 = vector.broadcast %sign3A_388 : i32 to vector<16xi32>
    %ne3A_390 = arith.cmpi ne, %sign3A_381, %ne3A_389 : vector<16xi32>
    %rem3A_391 = vector.broadcast %jit3A_370 : i32 to vector<16xi32>
    %rem3A_392 = arith.remsi %add3A_369, %rem3A_391 : vector<16xi32>
    %ne3A_393 = arith.constant 0 : i32
    %ne3A_394 = vector.broadcast %ne3A_393 : i32 to vector<16xi32>
    %ne3A_395 = arith.cmpi ne, %rem3A_392, %ne3A_394 : vector<16xi32>
    %and3A_396 = arith.andi %ne3A_390, %ne3A_395 : vector<16xi1>
    %sub3A_397 = arith.constant 1 : i32
    %sub3A_398 = vector.broadcast %sub3A_397 : i32 to vector<16xi32>
    %sub3A_399 = arith.subi %div3A_372, %sub3A_398 : vector<16xi32>
    %select_n3A_400 = arith.select %and3A_396, %sub3A_399, %div3A_372 : vector<16xi1>, vector<16xi32>
    %mul3A_401 = arith.constant 20 : i32
    %mul3A_402 = vector.broadcast %mul3A_401 : i32 to vector<16xi32>
    %mul3A_403 = arith.muli %select_n3A_400, %mul3A_402 : vector<16xi32>
    %sub3A_404 = arith.subi %add3A_369, %mul3A_403 : vector<16xi32>
    %jit3A_405 = arith.constant 4 : i32
    %div3A_406 = vector.broadcast %jit3A_405 : i32 to vector<16xi32>
    %div3A_407 = arith.divsi %sub3A_404, %div3A_406 : vector<16xi32>
    %sign3A_408 = arith.constant 0 : i32
    %sign3A_409 = vector.broadcast %sign3A_408 : i32 to vector<16xi32>
    %sign3A_410 = arith.cmpi sgt, %sub3A_404, %sign3A_409 : vector<16xi32>
    %sign3A_411 = arith.extui %sign3A_410 : vector<16xi1> to vector<16xi32>
    %sign3A_412 = arith.constant 0 : i32
    %sign3A_413 = vector.broadcast %sign3A_412 : i32 to vector<16xi32>
    %sign3A_414 = arith.cmpi slt, %sub3A_404, %sign3A_413 : vector<16xi32>
    %sign3A_415 = arith.extui %sign3A_414 : vector<16xi1> to vector<16xi32>
    %sign3A_416 = arith.subi %sign3A_411, %sign3A_415 : vector<16xi32>
    %sign3A_417 = arith.constant 0 : i32
    %sign3A_418 = arith.cmpi sgt, %jit3A_405, %sign3A_417 : i32
    %sign3A_419 = arith.extui %sign3A_418 : i1 to i32
    %sign3A_420 = arith.constant 0 : i32
    %sign3A_421 = arith.cmpi slt, %jit3A_405, %sign3A_420 : i32
    %sign3A_422 = arith.extui %sign3A_421 : i1 to i32
    %sign3A_423 = arith.subi %sign3A_419, %sign3A_422 : i32
    %ne3A_424 = vector.broadcast %sign3A_423 : i32 to vector<16xi32>
    %ne3A_425 = arith.cmpi ne, %sign3A_416, %ne3A_424 : vector<16xi32>
    %rem3A_426 = vector.broadcast %jit3A_405 : i32 to vector<16xi32>
    %rem3A_427 = arith.remsi %sub3A_404, %rem3A_426 : vector<16xi32>
    %ne3A_428 = arith.constant 0 : i32
    %ne3A_429 = vector.broadcast %ne3A_428 : i32 to vector<16xi32>
    %ne3A_430 = arith.cmpi ne, %rem3A_427, %ne3A_429 : vector<16xi32>
    %and3A_431 = arith.andi %ne3A_425, %ne3A_430 : vector<16xi1>
    %sub3A_432 = arith.constant 1 : i32
    %sub3A_433 = vector.broadcast %sub3A_432 : i32 to vector<16xi32>
    %sub3A_434 = arith.subi %div3A_407, %sub3A_433 : vector<16xi32>
    %select_n3A_435 = arith.select %and3A_431, %sub3A_434, %div3A_407 : vector<16xi1>, vector<16xi32>
    %mul3A_436 = arith.constant 4 : i32
    %mul3A_437 = vector.broadcast %mul3A_436 : i32 to vector<16xi32>
    %mul3A_438 = arith.muli %select_n3A_435, %mul3A_437 : vector<16xi32>
    %sub3A_439 = arith.subi %sub3A_404, %mul3A_438 : vector<16xi32>
    %eq3A_440 = arith.constant 0 : i32
    %eq3A_441 = vector.broadcast %eq3A_440 : i32 to vector<16xi32>
    %eq3A_442 = arith.cmpi eq, %select_n3A_400, %eq3A_441 : vector<16xi32>
    %eq3A_443 = arith.constant 3 : i32
    %eq3A_444 = vector.broadcast %eq3A_443 : i32 to vector<16xi32>
    %eq3A_445 = arith.cmpi eq, %select_n3A_400, %eq3A_444 : vector<16xi32>
    %or3A_446 = arith.ori %eq3A_442, %eq3A_445 : vector<16xi1>
    %eq3A_447 = arith.constant 0 : i32
    %eq3A_448 = vector.broadcast %eq3A_447 : i32 to vector<16xi32>
    %eq3A_449 = arith.cmpi eq, %select_n3A_435, %eq3A_448 : vector<16xi32>
    %eq3A_450 = arith.constant 2 : i32
    %eq3A_451 = vector.broadcast %eq3A_450 : i32 to vector<16xi32>
    %eq3A_452 = arith.cmpi eq, %select_n3A_435, %eq3A_451 : vector<16xi32>
    %or3A_453 = arith.ori %eq3A_449, %eq3A_452 : vector<16xi1>
    %eq3A_454 = arith.constant 1 : i32
    %eq3A_455 = vector.broadcast %eq3A_454 : i32 to vector<16xi32>
    %eq3A_456 = arith.cmpi eq, %select_n3A_400, %eq3A_455 : vector<16xi32>
    %eq3A_457 = arith.constant 2 : i32
    %eq3A_458 = vector.broadcast %eq3A_457 : i32 to vector<16xi32>
    %eq3A_459 = arith.cmpi eq, %select_n3A_400, %eq3A_458 : vector<16xi32>
    %or3A_460 = arith.ori %eq3A_456, %eq3A_459 : vector<16xi1>
    %eq3A_461 = arith.constant 1 : i32
    %eq3A_462 = vector.broadcast %eq3A_461 : i32 to vector<16xi32>
    %eq3A_463 = arith.cmpi eq, %select_n3A_435, %eq3A_462 : vector<16xi32>
    %eq3A_464 = arith.constant 3 : i32
    %eq3A_465 = vector.broadcast %eq3A_464 : i32 to vector<16xi32>
    %eq3A_466 = arith.cmpi eq, %select_n3A_435, %eq3A_465 : vector<16xi32>
    %or3A_467 = arith.ori %eq3A_463, %eq3A_466 : vector<16xi1>
    %eq3A_468 = arith.constant 1 : i32
    %eq3A_469 = vector.broadcast %eq3A_468 : i32 to vector<16xi32>
    %eq3A_470 = arith.cmpi eq, %sub3A_439, %eq3A_469 : vector<16xi32>
    %and3A_471 = arith.andi %or3A_460, %or3A_467 : vector<16xi1>
    %and3A_472 = arith.andi %or3A_446, %or3A_453 : vector<16xi1>
    %select_n3A_473 = arith.select %and3A_472, %add3A_34, %add3A_30 : vector<16xi1>, vector<16xf32>
    %select_n3A_474 = arith.select %and3A_471, %add3A_38, %select_n3A_473 : vector<16xi1>, vector<16xf32>
    %select_n3A_475 = arith.select %eq3A_470, %select_n3A_474, %convert_element_type3A_27 : vector<16xi1>, vector<16xf32>
    %swap3A_476 = arith.constant 48 : index
    %swap3A_477 = tpu.vector_load %arg11[%swap3A_476] {strides = array<i32>} : memref<128xf32, #tpu.memory_space<vmem>>, vector<16xf32>,
    tpu.vector_store %arg11[%swap3A_476], %select_n3A_475 {strides = array<i32>} : memref<128xf32, #tpu.memory_space<vmem>>, vector<16xf32>,
    %iota3A_478 = tpu.iota {dimensions = array<i32: 0>} : vector<16xi32>
    %add3A_479 = arith.constant 64 : i32
    %add3A_480 = vector.broadcast %add3A_479 : i32 to vector<16xi32>
    %add3A_481 = arith.addi %iota3A_478, %add3A_480 : vector<16xi32>
    %jit3A_482 = arith.constant 20 : i32
    %div3A_483 = vector.broadcast %jit3A_482 : i32 to vector<16xi32>
    %div3A_484 = arith.divsi %add3A_481, %div3A_483 : vector<16xi32>
    %sign3A_485 = arith.constant 0 : i32
    %sign3A_486 = vector.broadcast %sign3A_485 : i32 to vector<16xi32>
    %sign3A_487 = arith.cmpi sgt, %add3A_481, %sign3A_486 : vector<16xi32>
    %sign3A_488 = arith.extui %sign3A_487 : vector<16xi1> to vector<16xi32>
    %sign3A_489 = arith.constant 0 : i32
    %sign3A_490 = vector.broadcast %sign3A_489 : i32 to vector<16xi32>
    %sign3A_491 = arith.cmpi slt, %add3A_481, %sign3A_490 : vector<16xi32>
    %sign3A_492 = arith.extui %sign3A_491 : vector<16xi1> to vector<16xi32>
    %sign3A_493 = arith.subi %sign3A_488, %sign3A_492 : vector<16xi32>
    %sign3A_494 = arith.constant 0 : i32
    %sign3A_495 = arith.cmpi sgt, %jit3A_482, %sign3A_494 : i32
    %sign3A_496 = arith.extui %sign3A_495 : i1 to i32
    %sign3A_497 = arith.constant 0 : i32
    %sign3A_498 = arith.cmpi slt, %jit3A_482, %sign3A_497 : i32
    %sign3A_499 = arith.extui %sign3A_498 : i1 to i32
    %sign3A_500 = arith.subi %sign3A_496, %sign3A_499 : i32
    %ne3A_501 = vector.broadcast %sign3A_500 : i32 to vector<16xi32>
    %ne3A_502 = arith.cmpi ne, %sign3A_493, %ne3A_501 : vector<16xi32>
    %rem3A_503 = vector.broadcast %jit3A_482 : i32 to vector<16xi32>
    %rem3A_504 = arith.remsi %add3A_481, %rem3A_503 : vector<16xi32>
    %ne3A_505 = arith.constant 0 : i32
    %ne3A_506 = vector.broadcast %ne3A_505 : i32 to vector<16xi32>
    %ne3A_507 = arith.cmpi ne, %rem3A_504, %ne3A_506 : vector<16xi32>
    %and3A_508 = arith.andi %ne3A_502, %ne3A_507 : vector<16xi1>
    %sub3A_509 = arith.constant 1 : i32
    %sub3A_510 = vector.broadcast %sub3A_509 : i32 to vector<16xi32>
    %sub3A_511 = arith.subi %div3A_484, %sub3A_510 : vector<16xi32>
    %select_n3A_512 = arith.select %and3A_508, %sub3A_511, %div3A_484 : vector<16xi1>, vector<16xi32>
    %mul3A_513 = arith.constant 20 : i32
    %mul3A_514 = vector.broadcast %mul3A_513 : i32 to vector<16xi32>
    %mul3A_515 = arith.muli %select_n3A_512, %mul3A_514 : vector<16xi32>
    %sub3A_516 = arith.subi %add3A_481, %mul3A_515 : vector<16xi32>
    %jit3A_517 = arith.constant 4 : i32
    %div3A_518 = vector.broadcast %jit3A_517 : i32 to vector<16xi32>
    %div3A_519 = arith.divsi %sub3A_516, %div3A_518 : vector<16xi32>
    %sign3A_520 = arith.constant 0 : i32
    %sign3A_521 = vector.broadcast %sign3A_520 : i32 to vector<16xi32>
    %sign3A_522 = arith.cmpi sgt, %sub3A_516, %sign3A_521 : vector<16xi32>
    %sign3A_523 = arith.extui %sign3A_522 : vector<16xi1> to vector<16xi32>
    %sign3A_524 = arith.constant 0 : i32
    %sign3A_525 = vector.broadcast %sign3A_524 : i32 to vector<16xi32>
    %sign3A_526 = arith.cmpi slt, %sub3A_516, %sign3A_525 : vector<16xi32>
    %sign3A_527 = arith.extui %sign3A_526 : vector<16xi1> to vector<16xi32>
    %sign3A_528 = arith.subi %sign3A_523, %sign3A_527 : vector<16xi32>
    %sign3A_529 = arith.constant 0 : i32
    %sign3A_530 = arith.cmpi sgt, %jit3A_517, %sign3A_529 : i32
    %sign3A_531 = arith.extui %sign3A_530 : i1 to i32
    %sign3A_532 = arith.constant 0 : i32
    %sign3A_533 = arith.cmpi slt, %jit3A_517, %sign3A_532 : i32
    %sign3A_534 = arith.extui %sign3A_533 : i1 to i32
    %sign3A_535 = arith.subi %sign3A_531, %sign3A_534 : i32
    %ne3A_536 = vector.broadcast %sign3A_535 : i32 to vector<16xi32>
    %ne3A_537 = arith.cmpi ne, %sign3A_528, %ne3A_536 : vector<16xi32>
    %rem3A_538 = vector.broadcast %jit3A_517 : i32 to vector<16xi32>
    %rem3A_539 = arith.remsi %sub3A_516, %rem3A_538 : vector<16xi32>
    %ne3A_540 = arith.constant 0 : i32
    %ne3A_541 = vector.broadcast %ne3A_540 : i32 to vector<16xi32>
    %ne3A_542 = arith.cmpi ne, %rem3A_539, %ne3A_541 : vector<16xi32>
    %and3A_543 = arith.andi %ne3A_537, %ne3A_542 : vector<16xi1>
    %sub3A_544 = arith.constant 1 : i32
    %sub3A_545 = vector.broadcast %sub3A_544 : i32 to vector<16xi32>
    %sub3A_546 = arith.subi %div3A_519, %sub3A_545 : vector<16xi32>
    %select_n3A_547 = arith.select %and3A_543, %sub3A_546, %div3A_519 : vector<16xi1>, vector<16xi32>
    %mul3A_548 = arith.constant 4 : i32
    %mul3A_549 = vector.broadcast %mul3A_548 : i32 to vector<16xi32>
    %mul3A_550 = arith.muli %select_n3A_547, %mul3A_549 : vector<16xi32>
    %sub3A_551 = arith.subi %sub3A_516, %mul3A_550 : vector<16xi32>
    %eq3A_552 = arith.constant 0 : i32
    %eq3A_553 = vector.broadcast %eq3A_552 : i32 to vector<16xi32>
    %eq3A_554 = arith.cmpi eq, %select_n3A_512, %eq3A_553 : vector<16xi32>
    %eq3A_555 = arith.constant 3 : i32
    %eq3A_556 = vector.broadcast %eq3A_555 : i32 to vector<16xi32>
    %eq3A_557 = arith.cmpi eq, %select_n3A_512, %eq3A_556 : vector<16xi32>
    %or3A_558 = arith.ori %eq3A_554, %eq3A_557 : vector<16xi1>
    %eq3A_559 = arith.constant 0 : i32
    %eq3A_560 = vector.broadcast %eq3A_559 : i32 to vector<16xi32>
    %eq3A_561 = arith.cmpi eq, %select_n3A_547, %eq3A_560 : vector<16xi32>
    %eq3A_562 = arith.constant 2 : i32
    %eq3A_563 = vector.broadcast %eq3A_562 : i32 to vector<16xi32>
    %eq3A_564 = arith.cmpi eq, %select_n3A_547, %eq3A_563 : vector<16xi32>
    %or3A_565 = arith.ori %eq3A_561, %eq3A_564 : vector<16xi1>
    %eq3A_566 = arith.constant 1 : i32
    %eq3A_567 = vector.broadcast %eq3A_566 : i32 to vector<16xi32>
    %eq3A_568 = arith.cmpi eq, %select_n3A_512, %eq3A_567 : vector<16xi32>
    %eq3A_569 = arith.constant 2 : i32
    %eq3A_570 = vector.broadcast %eq3A_569 : i32 to vector<16xi32>
    %eq3A_571 = arith.cmpi eq, %select_n3A_512, %eq3A_570 : vector<16xi32>
    %or3A_572 = arith.ori %eq3A_568, %eq3A_571 : vector<16xi1>
    %eq3A_573 = arith.constant 1 : i32
    %eq3A_574 = vector.broadcast %eq3A_573 : i32 to vector<16xi32>
    %eq3A_575 = arith.cmpi eq, %select_n3A_547, %eq3A_574 : vector<16xi32>
    %eq3A_576 = arith.constant 3 : i32
    %eq3A_577 = vector.broadcast %eq3A_576 : i32 to vector<16xi32>
    %eq3A_578 = arith.cmpi eq, %select_n3A_547, %eq3A_577 : vector<16xi32>
    %or3A_579 = arith.ori %eq3A_575, %eq3A_578 : vector<16xi1>
    %eq3A_580 = arith.constant 1 : i32
    %eq3A_581 = vector.broadcast %eq3A_580 : i32 to vector<16xi32>
    %eq3A_582 = arith.cmpi eq, %sub3A_551, %eq3A_581 : vector<16xi32>
    %and3A_583 = arith.andi %or3A_572, %or3A_579 : vector<16xi1>
    %and3A_584 = arith.andi %or3A_558, %or3A_565 : vector<16xi1>
    %select_n3A_585 = arith.select %and3A_584, %add3A_34, %add3A_30 : vector<16xi1>, vector<16xf32>
    %select_n3A_586 = arith.select %and3A_583, %add3A_38, %select_n3A_585 : vector<16xi1>, vector<16xf32>
    %select_n3A_587 = arith.select %eq3A_582, %select_n3A_586, %convert_element_type3A_27 : vector<16xi1>, vector<16xf32>
    %swap3A_588 = arith.constant 64 : index
    %swap3A_589 = tpu.vector_load %arg11[%swap3A_588] {strides = array<i32>} : memref<128xf32, #tpu.memory_space<vmem>>, vector<16xf32>,
    tpu.vector_store %arg11[%swap3A_588], %select_n3A_587 {strides = array<i32>} : memref<128xf32, #tpu.memory_space<vmem>>, vector<16xf32>,
    %iota3A_590 = tpu.iota {dimensions = array<i32: 0>} : vector<16xi32>
    %add3A_591 = arith.constant 80 : i32
    %add3A_592 = vector.broadcast %add3A_591 : i32 to vector<16xi32>
    %add3A_593 = arith.addi %iota3A_590, %add3A_592 : vector<16xi32>
    %jit3A_594 = arith.constant 20 : i32
    %div3A_595 = vector.broadcast %jit3A_594 : i32 to vector<16xi32>
    %div3A_596 = arith.divsi %add3A_593, %div3A_595 : vector<16xi32>
    %sign3A_597 = arith.constant 0 : i32
    %sign3A_598 = vector.broadcast %sign3A_597 : i32 to vector<16xi32>
    %sign3A_599 = arith.cmpi sgt, %add3A_593, %sign3A_598 : vector<16xi32>
    %sign3A_600 = arith.extui %sign3A_599 : vector<16xi1> to vector<16xi32>
    %sign3A_601 = arith.constant 0 : i32
    %sign3A_602 = vector.broadcast %sign3A_601 : i32 to vector<16xi32>
    %sign3A_603 = arith.cmpi slt, %add3A_593, %sign3A_602 : vector<16xi32>
    %sign3A_604 = arith.extui %sign3A_603 : vector<16xi1> to vector<16xi32>
    %sign3A_605 = arith.subi %sign3A_600, %sign3A_604 : vector<16xi32>
    %sign3A_606 = arith.constant 0 : i32
    %sign3A_607 = arith.cmpi sgt, %jit3A_594, %sign3A_606 : i32
    %sign3A_608 = arith.extui %sign3A_607 : i1 to i32
    %sign3A_609 = arith.constant 0 : i32
    %sign3A_610 = arith.cmpi slt, %jit3A_594, %sign3A_609 : i32
    %sign3A_611 = arith.extui %sign3A_610 : i1 to i32
    %sign3A_612 = arith.subi %sign3A_608, %sign3A_611 : i32
    %ne3A_613 = vector.broadcast %sign3A_612 : i32 to vector<16xi32>
    %ne3A_614 = arith.cmpi ne, %sign3A_605, %ne3A_613 : vector<16xi32>
    %rem3A_615 = vector.broadcast %jit3A_594 : i32 to vector<16xi32>
    %rem3A_616 = arith.remsi %add3A_593, %rem3A_615 : vector<16xi32>
    %ne3A_617 = arith.constant 0 : i32
    %ne3A_618 = vector.broadcast %ne3A_617 : i32 to vector<16xi32>
    %ne3A_619 = arith.cmpi ne, %rem3A_616, %ne3A_618 : vector<16xi32>
    %and3A_620 = arith.andi %ne3A_614, %ne3A_619 : vector<16xi1>
    %sub3A_621 = arith.constant 1 : i32
    %sub3A_622 = vector.broadcast %sub3A_621 : i32 to vector<16xi32>
    %sub3A_623 = arith.subi %div3A_596, %sub3A_622 : vector<16xi32>
    %select_n3A_624 = arith.select %and3A_620, %sub3A_623, %div3A_596 : vector<16xi1>, vector<16xi32>
    %mul3A_625 = arith.constant 20 : i32
    %mul3A_626 = vector.broadcast %mul3A_625 : i32 to vector<16xi32>
    %mul3A_627 = arith.muli %select_n3A_624, %mul3A_626 : vector<16xi32>
    %sub3A_628 = arith.subi %add3A_593, %mul3A_627 : vector<16xi32>
    %jit3A_629 = arith.constant 4 : i32
    %div3A_630 = vector.broadcast %jit3A_629 : i32 to vector<16xi32>
    %div3A_631 = arith.divsi %sub3A_628, %div3A_630 : vector<16xi32>
    %sign3A_632 = arith.constant 0 : i32
    %sign3A_633 = vector.broadcast %sign3A_632 : i32 to vector<16xi32>
    %sign3A_634 = arith.cmpi sgt, %sub3A_628, %sign3A_633 : vector<16xi32>
    %sign3A_635 = arith.extui %sign3A_634 : vector<16xi1> to vector<16xi32>
    %sign3A_636 = arith.constant 0 : i32
    %sign3A_637 = vector.broadcast %sign3A_636 : i32 to vector<16xi32>
    %sign3A_638 = arith.cmpi slt, %sub3A_628, %sign3A_637 : vector<16xi32>
    %sign3A_639 = arith.extui %sign3A_638 : vector<16xi1> to vector<16xi32>
    %sign3A_640 = arith.subi %sign3A_635, %sign3A_639 : vector<16xi32>
    %sign3A_641 = arith.constant 0 : i32
    %sign3A_642 = arith.cmpi sgt, %jit3A_629, %sign3A_641 : i32
    %sign3A_643 = arith.extui %sign3A_642 : i1 to i32
    %sign3A_644 = arith.constant 0 : i32
    %sign3A_645 = arith.cmpi slt, %jit3A_629, %sign3A_644 : i32
    %sign3A_646 = arith.extui %sign3A_645 : i1 to i32
    %sign3A_647 = arith.subi %sign3A_643, %sign3A_646 : i32
    %ne3A_648 = vector.broadcast %sign3A_647 : i32 to vector<16xi32>
    %ne3A_649 = arith.cmpi ne, %sign3A_640, %ne3A_648 : vector<16xi32>
    %rem3A_650 = vector.broadcast %jit3A_629 : i32 to vector<16xi32>
    %rem3A_651 = arith.remsi %sub3A_628, %rem3A_650 : vector<16xi32>
    %ne3A_652 = arith.constant 0 : i32
    %ne3A_653 = vector.broadcast %ne3A_652 : i32 to vector<16xi32>
    %ne3A_654 = arith.cmpi ne, %rem3A_651, %ne3A_653 : vector<16xi32>
    %and3A_655 = arith.andi %ne3A_649, %ne3A_654 : vector<16xi1>
    %sub3A_656 = arith.constant 1 : i32
    %sub3A_657 = vector.broadcast %sub3A_656 : i32 to vector<16xi32>
    %sub3A_658 = arith.subi %div3A_631, %sub3A_657 : vector<16xi32>
    %select_n3A_659 = arith.select %and3A_655, %sub3A_658, %div3A_631 : vector<16xi1>, vector<16xi32>
    %mul3A_660 = arith.constant 4 : i32
    %mul3A_661 = vector.broadcast %mul3A_660 : i32 to vector<16xi32>
    %mul3A_662 = arith.muli %select_n3A_659, %mul3A_661 : vector<16xi32>
    %sub3A_663 = arith.subi %sub3A_628, %mul3A_662 : vector<16xi32>
    %eq3A_664 = arith.constant 0 : i32
    %eq3A_665 = vector.broadcast %eq3A_664 : i32 to vector<16xi32>
    %eq3A_666 = arith.cmpi eq, %select_n3A_624, %eq3A_665 : vector<16xi32>
    %eq3A_667 = arith.constant 3 : i32
    %eq3A_668 = vector.broadcast %eq3A_667 : i32 to vector<16xi32>
    %eq3A_669 = arith.cmpi eq, %select_n3A_624, %eq3A_668 : vector<16xi32>
    %or3A_670 = arith.ori %eq3A_666, %eq3A_669 : vector<16xi1>
    %eq3A_671 = arith.constant 0 : i32
    %eq3A_672 = vector.broadcast %eq3A_671 : i32 to vector<16xi32>
    %eq3A_673 = arith.cmpi eq, %select_n3A_659, %eq3A_672 : vector<16xi32>
    %eq3A_674 = arith.constant 2 : i32
    %eq3A_675 = vector.broadcast %eq3A_674 : i32 to vector<16xi32>
    %eq3A_676 = arith.cmpi eq, %select_n3A_659, %eq3A_675 : vector<16xi32>
    %or3A_677 = arith.ori %eq3A_673, %eq3A_676 : vector<16xi1>
    %eq3A_678 = arith.constant 1 : i32
    %eq3A_679 = vector.broadcast %eq3A_678 : i32 to vector<16xi32>
    %eq3A_680 = arith.cmpi eq, %select_n3A_624, %eq3A_679 : vector<16xi32>
    %eq3A_681 = arith.constant 2 : i32
    %eq3A_682 = vector.broadcast %eq3A_681 : i32 to vector<16xi32>
    %eq3A_683 = arith.cmpi eq, %select_n3A_624, %eq3A_682 : vector<16xi32>
    %or3A_684 = arith.ori %eq3A_680, %eq3A_683 : vector<16xi1>
    %eq3A_685 = arith.constant 1 : i32
    %eq3A_686 = vector.broadcast %eq3A_685 : i32 to vector<16xi32>
    %eq3A_687 = arith.cmpi eq, %select_n3A_659, %eq3A_686 : vector<16xi32>
    %eq3A_688 = arith.constant 3 : i32
    %eq3A_689 = vector.broadcast %eq3A_688 : i32 to vector<16xi32>
    %eq3A_690 = arith.cmpi eq, %select_n3A_659, %eq3A_689 : vector<16xi32>
    %or3A_691 = arith.ori %eq3A_687, %eq3A_690 : vector<16xi1>
    %eq3A_692 = arith.constant 1 : i32
    %eq3A_693 = vector.broadcast %eq3A_692 : i32 to vector<16xi32>
    %eq3A_694 = arith.cmpi eq, %sub3A_663, %eq3A_693 : vector<16xi32>
    %and3A_695 = arith.andi %or3A_684, %or3A_691 : vector<16xi1>
    %and3A_696 = arith.andi %or3A_670, %or3A_677 : vector<16xi1>
    %select_n3A_697 = arith.select %and3A_696, %add3A_34, %add3A_30 : vector<16xi1>, vector<16xf32>
    %select_n3A_698 = arith.select %and3A_695, %add3A_38, %select_n3A_697 : vector<16xi1>, vector<16xf32>
    %select_n3A_699 = arith.select %eq3A_694, %select_n3A_698, %convert_element_type3A_27 : vector<16xi1>, vector<16xf32>
    %swap3A_700 = arith.constant 80 : index
    %swap3A_701 = tpu.vector_load %arg11[%swap3A_700] {strides = array<i32>} : memref<128xf32, #tpu.memory_space<vmem>>, vector<16xf32>,
    tpu.vector_store %arg11[%swap3A_700], %select_n3A_699 {strides = array<i32>} : memref<128xf32, #tpu.memory_space<vmem>>, vector<16xf32>,
    %iota3A_702 = tpu.iota {dimensions = array<i32: 0>} : vector<16xi32>
    %add3A_703 = arith.constant 96 : i32
    %add3A_704 = vector.broadcast %add3A_703 : i32 to vector<16xi32>
    %add3A_705 = arith.addi %iota3A_702, %add3A_704 : vector<16xi32>
    %jit3A_706 = arith.constant 20 : i32
    %div3A_707 = vector.broadcast %jit3A_706 : i32 to vector<16xi32>
    %div3A_708 = arith.divsi %add3A_705, %div3A_707 : vector<16xi32>
    %sign3A_709 = arith.constant 0 : i32
    %sign3A_710 = vector.broadcast %sign3A_709 : i32 to vector<16xi32>
    %sign3A_711 = arith.cmpi sgt, %add3A_705, %sign3A_710 : vector<16xi32>
    %sign3A_712 = arith.extui %sign3A_711 : vector<16xi1> to vector<16xi32>
    %sign3A_713 = arith.constant 0 : i32
    %sign3A_714 = vector.broadcast %sign3A_713 : i32 to vector<16xi32>
    %sign3A_715 = arith.cmpi slt, %add3A_705, %sign3A_714 : vector<16xi32>
    %sign3A_716 = arith.extui %sign3A_715 : vector<16xi1> to vector<16xi32>
    %sign3A_717 = arith.subi %sign3A_712, %sign3A_716 : vector<16xi32>
    %sign3A_718 = arith.constant 0 : i32
    %sign3A_719 = arith.cmpi sgt, %jit3A_706, %sign3A_718 : i32
    %sign3A_720 = arith.extui %sign3A_719 : i1 to i32
    %sign3A_721 = arith.constant 0 : i32
    %sign3A_722 = arith.cmpi slt, %jit3A_706, %sign3A_721 : i32
    %sign3A_723 = arith.extui %sign3A_722 : i1 to i32
    %sign3A_724 = arith.subi %sign3A_720, %sign3A_723 : i32
    %ne3A_725 = vector.broadcast %sign3A_724 : i32 to vector<16xi32>
    %ne3A_726 = arith.cmpi ne, %sign3A_717, %ne3A_725 : vector<16xi32>
    %rem3A_727 = vector.broadcast %jit3A_706 : i32 to vector<16xi32>
    %rem3A_728 = arith.remsi %add3A_705, %rem3A_727 : vector<16xi32>
    %ne3A_729 = arith.constant 0 : i32
    %ne3A_730 = vector.broadcast %ne3A_729 : i32 to vector<16xi32>
    %ne3A_731 = arith.cmpi ne, %rem3A_728, %ne3A_730 : vector<16xi32>
    %and3A_732 = arith.andi %ne3A_726, %ne3A_731 : vector<16xi1>
    %sub3A_733 = arith.constant 1 : i32
    %sub3A_734 = vector.broadcast %sub3A_733 : i32 to vector<16xi32>
    %sub3A_735 = arith.subi %div3A_708, %sub3A_734 : vector<16xi32>
    %select_n3A_736 = arith.select %and3A_732, %sub3A_735, %div3A_708 : vector<16xi1>, vector<16xi32>
    %mul3A_737 = arith.constant 20 : i32
    %mul3A_738 = vector.broadcast %mul3A_737 : i32 to vector<16xi32>
    %mul3A_739 = arith.muli %select_n3A_736, %mul3A_738 : vector<16xi32>
    %sub3A_740 = arith.subi %add3A_705, %mul3A_739 : vector<16xi32>
    %jit3A_741 = arith.constant 4 : i32
    %div3A_742 = vector.broadcast %jit3A_741 : i32 to vector<16xi32>
    %div3A_743 = arith.divsi %sub3A_740, %div3A_742 : vector<16xi32>
    %sign3A_744 = arith.constant 0 : i32
    %sign3A_745 = vector.broadcast %sign3A_744 : i32 to vector<16xi32>
    %sign3A_746 = arith.cmpi sgt, %sub3A_740, %sign3A_745 : vector<16xi32>
    %sign3A_747 = arith.extui %sign3A_746 : vector<16xi1> to vector<16xi32>
    %sign3A_748 = arith.constant 0 : i32
    %sign3A_749 = vector.broadcast %sign3A_748 : i32 to vector<16xi32>
    %sign3A_750 = arith.cmpi slt, %sub3A_740, %sign3A_749 : vector<16xi32>
    %sign3A_751 = arith.extui %sign3A_750 : vector<16xi1> to vector<16xi32>
    %sign3A_752 = arith.subi %sign3A_747, %sign3A_751 : vector<16xi32>
    %sign3A_753 = arith.constant 0 : i32
    %sign3A_754 = arith.cmpi sgt, %jit3A_741, %sign3A_753 : i32
    %sign3A_755 = arith.extui %sign3A_754 : i1 to i32
    %sign3A_756 = arith.constant 0 : i32
    %sign3A_757 = arith.cmpi slt, %jit3A_741, %sign3A_756 : i32
    %sign3A_758 = arith.extui %sign3A_757 : i1 to i32
    %sign3A_759 = arith.subi %sign3A_755, %sign3A_758 : i32
    %ne3A_760 = vector.broadcast %sign3A_759 : i32 to vector<16xi32>
    %ne3A_761 = arith.cmpi ne, %sign3A_752, %ne3A_760 : vector<16xi32>
    %rem3A_762 = vector.broadcast %jit3A_741 : i32 to vector<16xi32>
    %rem3A_763 = arith.remsi %sub3A_740, %rem3A_762 : vector<16xi32>
    %ne3A_764 = arith.constant 0 : i32
    %ne3A_765 = vector.broadcast %ne3A_764 : i32 to vector<16xi32>
    %ne3A_766 = arith.cmpi ne, %rem3A_763, %ne3A_765 : vector<16xi32>
    %and3A_767 = arith.andi %ne3A_761, %ne3A_766 : vector<16xi1>
    %sub3A_768 = arith.constant 1 : i32
    %sub3A_769 = vector.broadcast %sub3A_768 : i32 to vector<16xi32>
    %sub3A_770 = arith.subi %div3A_743, %sub3A_769 : vector<16xi32>
    %select_n3A_771 = arith.select %and3A_767, %sub3A_770, %div3A_743 : vector<16xi1>, vector<16xi32>
    %mul3A_772 = arith.constant 4 : i32
    %mul3A_773 = vector.broadcast %mul3A_772 : i32 to vector<16xi32>
    %mul3A_774 = arith.muli %select_n3A_771, %mul3A_773 : vector<16xi32>
    %sub3A_775 = arith.subi %sub3A_740, %mul3A_774 : vector<16xi32>
    %eq3A_776 = arith.constant 0 : i32
    %eq3A_777 = vector.broadcast %eq3A_776 : i32 to vector<16xi32>
    %eq3A_778 = arith.cmpi eq, %select_n3A_736, %eq3A_777 : vector<16xi32>
    %eq3A_779 = arith.constant 3 : i32
    %eq3A_780 = vector.broadcast %eq3A_779 : i32 to vector<16xi32>
    %eq3A_781 = arith.cmpi eq, %select_n3A_736, %eq3A_780 : vector<16xi32>
    %or3A_782 = arith.ori %eq3A_778, %eq3A_781 : vector<16xi1>
    %eq3A_783 = arith.constant 0 : i32
    %eq3A_784 = vector.broadcast %eq3A_783 : i32 to vector<16xi32>
    %eq3A_785 = arith.cmpi eq, %select_n3A_771, %eq3A_784 : vector<16xi32>
    %eq3A_786 = arith.constant 2 : i32
    %eq3A_787 = vector.broadcast %eq3A_786 : i32 to vector<16xi32>
    %eq3A_788 = arith.cmpi eq, %select_n3A_771, %eq3A_787 : vector<16xi32>
    %or3A_789 = arith.ori %eq3A_785, %eq3A_788 : vector<16xi1>
    %eq3A_790 = arith.constant 1 : i32
    %eq3A_791 = vector.broadcast %eq3A_790 : i32 to vector<16xi32>
    %eq3A_792 = arith.cmpi eq, %select_n3A_736, %eq3A_791 : vector<16xi32>
    %eq3A_793 = arith.constant 2 : i32
    %eq3A_794 = vector.broadcast %eq3A_793 : i32 to vector<16xi32>
    %eq3A_795 = arith.cmpi eq, %select_n3A_736, %eq3A_794 : vector<16xi32>
    %or3A_796 = arith.ori %eq3A_792, %eq3A_795 : vector<16xi1>
    %eq3A_797 = arith.constant 1 : i32
    %eq3A_798 = vector.broadcast %eq3A_797 : i32 to vector<16xi32>
    %eq3A_799 = arith.cmpi eq, %select_n3A_771, %eq3A_798 : vector<16xi32>
    %eq3A_800 = arith.constant 3 : i32
    %eq3A_801 = vector.broadcast %eq3A_800 : i32 to vector<16xi32>
    %eq3A_802 = arith.cmpi eq, %select_n3A_771, %eq3A_801 : vector<16xi32>
    %or3A_803 = arith.ori %eq3A_799, %eq3A_802 : vector<16xi1>
    %eq3A_804 = arith.constant 1 : i32
    %eq3A_805 = vector.broadcast %eq3A_804 : i32 to vector<16xi32>
    %eq3A_806 = arith.cmpi eq, %sub3A_775, %eq3A_805 : vector<16xi32>
    %and3A_807 = arith.andi %or3A_796, %or3A_803 : vector<16xi1>
    %and3A_808 = arith.andi %or3A_782, %or3A_789 : vector<16xi1>
    %select_n3A_809 = arith.select %and3A_808, %add3A_34, %add3A_30 : vector<16xi1>, vector<16xf32>
    %select_n3A_810 = arith.select %and3A_807, %add3A_38, %select_n3A_809 : vector<16xi1>, vector<16xf32>
    %select_n3A_811 = arith.select %eq3A_806, %select_n3A_810, %convert_element_type3A_27 : vector<16xi1>, vector<16xf32>
    %swap3A_812 = arith.constant 96 : index
    %swap3A_813 = tpu.vector_load %arg11[%swap3A_812] {strides = array<i32>} : memref<128xf32, #tpu.memory_space<vmem>>, vector<16xf32>,
    tpu.vector_store %arg11[%swap3A_812], %select_n3A_811 {strides = array<i32>} : memref<128xf32, #tpu.memory_space<vmem>>, vector<16xf32>,
    %iota3A_814 = tpu.iota {dimensions = array<i32: 0>} : vector<16xi32>
    %add3A_815 = arith.constant 112 : i32
    %add3A_816 = vector.broadcast %add3A_815 : i32 to vector<16xi32>
    %add3A_817 = arith.addi %iota3A_814, %add3A_816 : vector<16xi32>
    %jit3A_818 = arith.constant 20 : i32
    %div3A_819 = vector.broadcast %jit3A_818 : i32 to vector<16xi32>
    %div3A_820 = arith.divsi %add3A_817, %div3A_819 : vector<16xi32>
    %sign3A_821 = arith.constant 0 : i32
    %sign3A_822 = vector.broadcast %sign3A_821 : i32 to vector<16xi32>
    %sign3A_823 = arith.cmpi sgt, %add3A_817, %sign3A_822 : vector<16xi32>
    %sign3A_824 = arith.extui %sign3A_823 : vector<16xi1> to vector<16xi32>
    %sign3A_825 = arith.constant 0 : i32
    %sign3A_826 = vector.broadcast %sign3A_825 : i32 to vector<16xi32>
    %sign3A_827 = arith.cmpi slt, %add3A_817, %sign3A_826 : vector<16xi32>
    %sign3A_828 = arith.extui %sign3A_827 : vector<16xi1> to vector<16xi32>
    %sign3A_829 = arith.subi %sign3A_824, %sign3A_828 : vector<16xi32>
    %sign3A_830 = arith.constant 0 : i32
    %sign3A_831 = arith.cmpi sgt, %jit3A_818, %sign3A_830 : i32
    %sign3A_832 = arith.extui %sign3A_831 : i1 to i32
    %sign3A_833 = arith.constant 0 : i32
    %sign3A_834 = arith.cmpi slt, %jit3A_818, %sign3A_833 : i32
    %sign3A_835 = arith.extui %sign3A_834 : i1 to i32
    %sign3A_836 = arith.subi %sign3A_832, %sign3A_835 : i32
    %ne3A_837 = vector.broadcast %sign3A_836 : i32 to vector<16xi32>
    %ne3A_838 = arith.cmpi ne, %sign3A_829, %ne3A_837 : vector<16xi32>
    %rem3A_839 = vector.broadcast %jit3A_818 : i32 to vector<16xi32>
    %rem3A_840 = arith.remsi %add3A_817, %rem3A_839 : vector<16xi32>
    %ne3A_841 = arith.constant 0 : i32
    %ne3A_842 = vector.broadcast %ne3A_841 : i32 to vector<16xi32>
    %ne3A_843 = arith.cmpi ne, %rem3A_840, %ne3A_842 : vector<16xi32>
    %and3A_844 = arith.andi %ne3A_838, %ne3A_843 : vector<16xi1>
    %sub3A_845 = arith.constant 1 : i32
    %sub3A_846 = vector.broadcast %sub3A_845 : i32 to vector<16xi32>
    %sub3A_847 = arith.subi %div3A_820, %sub3A_846 : vector<16xi32>
    %select_n3A_848 = arith.select %and3A_844, %sub3A_847, %div3A_820 : vector<16xi1>, vector<16xi32>
    %mul3A_849 = arith.constant 20 : i32
    %mul3A_850 = vector.broadcast %mul3A_849 : i32 to vector<16xi32>
    %mul3A_851 = arith.muli %select_n3A_848, %mul3A_850 : vector<16xi32>
    %sub3A_852 = arith.subi %add3A_817, %mul3A_851 : vector<16xi32>
    %jit3A_853 = arith.constant 4 : i32
    %div3A_854 = vector.broadcast %jit3A_853 : i32 to vector<16xi32>
    %div3A_855 = arith.divsi %sub3A_852, %div3A_854 : vector<16xi32>
    %sign3A_856 = arith.constant 0 : i32
    %sign3A_857 = vector.broadcast %sign3A_856 : i32 to vector<16xi32>
    %sign3A_858 = arith.cmpi sgt, %sub3A_852, %sign3A_857 : vector<16xi32>
    %sign3A_859 = arith.extui %sign3A_858 : vector<16xi1> to vector<16xi32>
    %sign3A_860 = arith.constant 0 : i32
    %sign3A_861 = vector.broadcast %sign3A_860 : i32 to vector<16xi32>
    %sign3A_862 = arith.cmpi slt, %sub3A_852, %sign3A_861 : vector<16xi32>
    %sign3A_863 = arith.extui %sign3A_862 : vector<16xi1> to vector<16xi32>
    %sign3A_864 = arith.subi %sign3A_859, %sign3A_863 : vector<16xi32>
    %sign3A_865 = arith.constant 0 : i32
    %sign3A_866 = arith.cmpi sgt, %jit3A_853, %sign3A_865 : i32
    %sign3A_867 = arith.extui %sign3A_866 : i1 to i32
    %sign3A_868 = arith.constant 0 : i32
    %sign3A_869 = arith.cmpi slt, %jit3A_853, %sign3A_868 : i32
    %sign3A_870 = arith.extui %sign3A_869 : i1 to i32
    %sign3A_871 = arith.subi %sign3A_867, %sign3A_870 : i32
    %ne3A_872 = vector.broadcast %sign3A_871 : i32 to vector<16xi32>
    %ne3A_873 = arith.cmpi ne, %sign3A_864, %ne3A_872 : vector<16xi32>
    %rem3A_874 = vector.broadcast %jit3A_853 : i32 to vector<16xi32>
    %rem3A_875 = arith.remsi %sub3A_852, %rem3A_874 : vector<16xi32>
    %ne3A_876 = arith.constant 0 : i32
    %ne3A_877 = vector.broadcast %ne3A_876 : i32 to vector<16xi32>
    %ne3A_878 = arith.cmpi ne, %rem3A_875, %ne3A_877 : vector<16xi32>
    %and3A_879 = arith.andi %ne3A_873, %ne3A_878 : vector<16xi1>
    %sub3A_880 = arith.constant 1 : i32
    %sub3A_881 = vector.broadcast %sub3A_880 : i32 to vector<16xi32>
    %sub3A_882 = arith.subi %div3A_855, %sub3A_881 : vector<16xi32>
    %select_n3A_883 = arith.select %and3A_879, %sub3A_882, %div3A_855 : vector<16xi1>, vector<16xi32>
    %mul3A_884 = arith.constant 4 : i32
    %mul3A_885 = vector.broadcast %mul3A_884 : i32 to vector<16xi32>
    %mul3A_886 = arith.muli %select_n3A_883, %mul3A_885 : vector<16xi32>
    %sub3A_887 = arith.subi %sub3A_852, %mul3A_886 : vector<16xi32>
    %eq3A_888 = arith.constant 0 : i32
    %eq3A_889 = vector.broadcast %eq3A_888 : i32 to vector<16xi32>
    %eq3A_890 = arith.cmpi eq, %select_n3A_848, %eq3A_889 : vector<16xi32>
    %eq3A_891 = arith.constant 3 : i32
    %eq3A_892 = vector.broadcast %eq3A_891 : i32 to vector<16xi32>
    %eq3A_893 = arith.cmpi eq, %select_n3A_848, %eq3A_892 : vector<16xi32>
    %or3A_894 = arith.ori %eq3A_890, %eq3A_893 : vector<16xi1>
    %eq3A_895 = arith.constant 0 : i32
    %eq3A_896 = vector.broadcast %eq3A_895 : i32 to vector<16xi32>
    %eq3A_897 = arith.cmpi eq, %select_n3A_883, %eq3A_896 : vector<16xi32>
    %eq3A_898 = arith.constant 2 : i32
    %eq3A_899 = vector.broadcast %eq3A_898 : i32 to vector<16xi32>
    %eq3A_900 = arith.cmpi eq, %select_n3A_883, %eq3A_899 : vector<16xi32>
    %or3A_901 = arith.ori %eq3A_897, %eq3A_900 : vector<16xi1>
    %eq3A_902 = arith.constant 1 : i32
    %eq3A_903 = vector.broadcast %eq3A_902 : i32 to vector<16xi32>
    %eq3A_904 = arith.cmpi eq, %select_n3A_848, %eq3A_903 : vector<16xi32>
    %eq3A_905 = arith.constant 2 : i32
    %eq3A_906 = vector.broadcast %eq3A_905 : i32 to vector<16xi32>
    %eq3A_907 = arith.cmpi eq, %select_n3A_848, %eq3A_906 : vector<16xi32>
    %or3A_908 = arith.ori %eq3A_904, %eq3A_907 : vector<16xi1>
    %eq3A_909 = arith.constant 1 : i32
    %eq3A_910 = vector.broadcast %eq3A_909 : i32 to vector<16xi32>
    %eq3A_911 = arith.cmpi eq, %select_n3A_883, %eq3A_910 : vector<16xi32>
    %eq3A_912 = arith.constant 3 : i32
    %eq3A_913 = vector.broadcast %eq3A_912 : i32 to vector<16xi32>
    %eq3A_914 = arith.cmpi eq, %select_n3A_883, %eq3A_913 : vector<16xi32>
    %or3A_915 = arith.ori %eq3A_911, %eq3A_914 : vector<16xi1>
    %eq3A_916 = arith.constant 1 : i32
    %eq3A_917 = vector.broadcast %eq3A_916 : i32 to vector<16xi32>
    %eq3A_918 = arith.cmpi eq, %sub3A_887, %eq3A_917 : vector<16xi32>
    %and3A_919 = arith.andi %or3A_908, %or3A_915 : vector<16xi1>
    %and3A_920 = arith.andi %or3A_894, %or3A_901 : vector<16xi1>
    %select_n3A_921 = arith.select %and3A_920, %add3A_34, %add3A_30 : vector<16xi1>, vector<16xf32>
    %select_n3A_922 = arith.select %and3A_919, %add3A_38, %select_n3A_921 : vector<16xi1>, vector<16xf32>
    %select_n3A_923 = arith.select %eq3A_918, %select_n3A_922, %convert_element_type3A_27 : vector<16xi1>, vector<16xf32>
    %swap3A_924 = arith.constant 112 : index
    %swap3A_925 = tpu.vector_load %arg11[%swap3A_924] {strides = array<i32>} : memref<128xf32, #tpu.memory_space<vmem>>, vector<16xf32>,
    tpu.vector_store %arg11[%swap3A_924], %select_n3A_923 {strides = array<i32>} : memref<128xf32, #tpu.memory_space<vmem>>, vector<16xf32>,
    %iota3A_926 = tpu.iota {dimensions = array<i32: 0>} : vector<16xi32>
    %mul3A_927 = arith.constant 0 : i32
    %mul3A_928 = vector.broadcast %mul3A_927 : i32 to vector<16xi32>
    %mul3A_929 = arith.muli %iota3A_926, %mul3A_928 : vector<16xi32>
    %add3A_930 = arith.constant 0 : i32
    %add3A_931 = vector.broadcast %add3A_930 : i32 to vector<16xi32>
    %add3A_932 = arith.addi %mul3A_929, %add3A_931 : vector<16xi32>
    %convert_element_type3A_933 = arith.sitofp %add3A_932 : vector<16xi32> to vector<16xf32>
    %add3A_934 = arith.constant 0 : i32
    %add3A_935 = arith.addi %mul3A_8, %add3A_934 : i32
    %add3A_936 = arith.constant 16384 : i32
    %add3A_937 = arith.addi %mul3A_8, %add3A_936 : i32
    %sub3A_938 = arith.constant 8 : i32
    %sub3A_939 = arith.subi %add3A_937, %sub3A_938 : i32
    %dma_start3A_940 = arith.constant 0 : i32
    %dma_start3A_941 = tpu.memref_slice %arg7[%dma_start3A_940] : memref<16400xi32, #tpu.memory_space<vmem>> -> memref<16392xi32, #tpu.memory_space<vmem>>
    %dma_start3A_942 = tpu.memref_slice %arg2[%sub3A_939] : memref<4000000xi32, #tpu.memory_space<hbm>> -> memref<16392xi32, #tpu.memory_space<hbm>>
    %dma_start3A_943 = arith.constant 0 : i32
    %dma_start3A_944 = tpu.memref_slice %arg7[%dma_start3A_943] : memref<16400xi32, #tpu.memory_space<vmem>> -> memref<16392xi32, #tpu.memory_space<vmem>>
    %dma_start3A_945 = tpu.memref_slice %arg2[%sub3A_939] : memref<4000000xi32, #tpu.memory_space<hbm>> -> memref<16392xi32, #tpu.memory_space<hbm>>
    tpu.enqueue_dma source(%dma_start3A_945 : memref<16392xi32, #tpu.memory_space<hbm>>) target(%dma_start3A_944 : memref<16392xi32, #tpu.memory_space<vmem>>) target_semaphore(%arg14 : memref<!tpu.dma_semaphore, #tpu.memory_space<semaphore_mem>>)
    %dma_wait3A = tpu.memref_slice %arg6[%mul3A_15] : memref<16400xi32, #tpu.memory_space<vmem>> -> memref<16392xi32, #tpu.memory_space<vmem>>
    %dma_wait3A_946 = tpu.memref_slice %arg2[%add3A_17] : memref<4000000xi32, #tpu.memory_space<hbm>> -> memref<16392xi32, #tpu.memory_space<hbm>>
    %dma_wait3A_947 = tpu.memref_slice %arg6[%mul3A_15] : memref<16400xi32, #tpu.memory_space<vmem>> -> memref<16392xi32, #tpu.memory_space<vmem>>
    %dma_wait3A_948 = tpu.memref_slice %arg2[%add3A_17] : memref<4000000xi32, #tpu.memory_space<hbm>> -> memref<16392xi32, #tpu.memory_space<hbm>>
    tpu.wait_dma2 semaphore(%arg13 : memref<!tpu.dma_semaphore, #tpu.memory_space<semaphore_mem>>) src(%dma_wait3A_948 : memref<16392xi32, #tpu.memory_space<hbm>>) dst(%dma_wait3A_947 : memref<16392xi32, #tpu.memory_space<vmem>>)
    %scan3A = arith.constant 0 : i32
    %scan3A_949 = arith.constant 512 : i32
    %scan3A_950 = arith.addi %scan3A, %scan3A_949 : i32
    %scan3A_951 = arith.constant 1 : i32
    %scan3A_952 = scf.for %scan3A_1157 = %scan3A to %scan3A_950 step %scan3A_951 iter_args(%scan3A_1158 = %convert_element_type3A_933) -> (vector<16xf32>)  : i32 {
      %mul3A_1159 = arith.constant 32 : i32
      %mul3A_1160 = arith.muli %scan3A_1157, %mul3A_1159 : i32
      %add3A_1161 = arith.constant 6 : i32
      %add3A_1162 = arith.addi %mul3A_1160, %add3A_1161 : i32
      %get3A_1163 = arith.index_cast %add3A_1162 : i32 to index
      %get3A_1164 = tpu.vector_load %arg6[%get3A_1163] {strides = array<i32>} : memref<16400xi32, #tpu.memory_space<vmem>>, vector<16xi32>,
      %add3A_1165 = arith.constant 7 : i32
      %add3A_1166 = arith.addi %mul3A_1160, %add3A_1165 : i32
      %get3A_1167 = arith.index_cast %add3A_1166 : i32 to index
      %get3A_1168 = tpu.vector_load %arg6[%get3A_1167] {strides = array<i32>} : memref<16400xi32, #tpu.memory_space<vmem>>, vector<16xi32>,
      %add3A_1169 = arith.constant 8 : i32
      %add3A_1170 = arith.addi %mul3A_1160, %add3A_1169 : i32
      %get3A_1171 = arith.index_cast %add3A_1170 : i32 to index
      %get3A_1172 = tpu.vector_load %arg6[%get3A_1171] {strides = array<i32>} : memref<16400xi32, #tpu.memory_space<vmem>>, vector<16xi32>,
      %mul3A_1173 = arith.constant 20 : i32
      %mul3A_1174 = vector.broadcast %mul3A_1173 : i32 to vector<16xi32>
      %mul3A_1175 = arith.muli %get3A_1164, %mul3A_1174 : vector<16xi32>
      %mul3A_1176 = arith.constant 4 : i32
      %mul3A_1177 = vector.broadcast %mul3A_1176 : i32 to vector<16xi32>
      %mul3A_1178 = arith.muli %get3A_1168, %mul3A_1177 : vector<16xi32>
      %add3A_1179 = arith.addi %mul3A_1175, %mul3A_1178 : vector<16xi32>
      %add3A_1180 = arith.addi %add3A_1179, %get3A_1172 : vector<16xi32>
      %gather3A = tpu.vector_load_idx %arg11[%add3A_1180] : memref<128xf32, #tpu.memory_space<vmem>>[vector<16xi32>], vector<16xf32>,
      %add3A_1181 = arith.constant 16 : i32
      %add3A_1182 = arith.addi %mul3A_1160, %add3A_1181 : i32
      %add3A_1183 = arith.constant 6 : i32
      %add3A_1184 = arith.addi %add3A_1182, %add3A_1183 : i32
      %get3A_1185 = arith.index_cast %add3A_1184 : i32 to index
      %get3A_1186 = tpu.vector_load %arg6[%get3A_1185] {strides = array<i32>} : memref<16400xi32, #tpu.memory_space<vmem>>, vector<16xi32>,
      %add3A_1187 = arith.constant 7 : i32
      %add3A_1188 = arith.addi %add3A_1182, %add3A_1187 : i32
      %get3A_1189 = arith.index_cast %add3A_1188 : i32 to index
      %get3A_1190 = tpu.vector_load %arg6[%get3A_1189] {strides = array<i32>} : memref<16400xi32, #tpu.memory_space<vmem>>, vector<16xi32>,
      %add3A_1191 = arith.constant 8 : i32
      %add3A_1192 = arith.addi %add3A_1182, %add3A_1191 : i32
      %get3A_1193 = arith.index_cast %add3A_1192 : i32 to index
      %get3A_1194 = tpu.vector_load %arg6[%get3A_1193] {strides = array<i32>} : memref<16400xi32, #tpu.memory_space<vmem>>, vector<16xi32>,
      %mul3A_1195 = arith.constant 20 : i32
      %mul3A_1196 = vector.broadcast %mul3A_1195 : i32 to vector<16xi32>
      %mul3A_1197 = arith.muli %get3A_1186, %mul3A_1196 : vector<16xi32>
      %mul3A_1198 = arith.constant 4 : i32
      %mul3A_1199 = vector.broadcast %mul3A_1198 : i32 to vector<16xi32>
      %mul3A_1200 = arith.muli %get3A_1190, %mul3A_1199 : vector<16xi32>
      %add3A_1201 = arith.addi %mul3A_1197, %mul3A_1200 : vector<16xi32>
      %add3A_1202 = arith.addi %add3A_1201, %get3A_1194 : vector<16xi32>
      %gather3A_1203 = tpu.vector_load_idx %arg11[%add3A_1202] : memref<128xf32, #tpu.memory_space<vmem>>[vector<16xi32>], vector<16xf32>,
      %swap3A_1204 = arith.index_cast %mul3A_1160 : i32 to index
      %swap3A_1205 = tpu.vector_load %arg8[%swap3A_1204] {strides = array<i32>} : memref<16384xf32, #tpu.memory_space<vmem>>, vector<16xf32>,
      tpu.vector_store %arg8[%swap3A_1204], %gather3A {strides = array<i32>} : memref<16384xf32, #tpu.memory_space<vmem>>, vector<16xf32>,
      %add3A_1206 = arith.constant 16 : i32
      %add3A_1207 = arith.addi %mul3A_1160, %add3A_1206 : i32
      %swap3A_1208 = arith.index_cast %add3A_1207 : i32 to index
      %swap3A_1209 = tpu.vector_load %arg8[%swap3A_1208] {strides = array<i32>} : memref<16384xf32, #tpu.memory_space<vmem>>, vector<16xf32>,
      tpu.vector_store %arg8[%swap3A_1208], %gather3A_1203 {strides = array<i32>} : memref<16384xf32, #tpu.memory_space<vmem>>, vector<16xf32>,
      %add3A_1210 = arith.addf %scan3A_1158, %gather3A : vector<16xf32>
      %add3A_1211 = arith.addf %add3A_1210, %gather3A_1203 : vector<16xf32>
      scf.yield %add3A_1211 : vector<16xf32>
    }
    %scan3A_953 = arith.constant 512 : i32
    %dma_start3A_954 = tpu.memref_slice %arg4[%add3A_935] : memref<4000000xf32, #tpu.memory_space<hbm>> -> memref<16384xf32, #tpu.memory_space<hbm>>
    %dma_start3A_955 = tpu.memref_slice %arg4[%add3A_935] : memref<4000000xf32, #tpu.memory_space<hbm>> -> memref<16384xf32, #tpu.memory_space<hbm>>
    tpu.enqueue_dma source(%arg8 : memref<16384xf32, #tpu.memory_space<vmem>>) target(%dma_start3A_955 : memref<16384xf32, #tpu.memory_space<hbm>>) target_semaphore(%arg15 : memref<!tpu.dma_semaphore, #tpu.memory_space<semaphore_mem>>)
    %add3A_956 = arith.constant 16384 : i32
    %add3A_957 = arith.addi %mul3A_8, %add3A_956 : i32
    %add3A_958 = arith.constant 32768 : i32
    %add3A_959 = arith.addi %mul3A_8, %add3A_958 : i32
    %sub3A_960 = arith.constant 8 : i32
    %sub3A_961 = arith.subi %add3A_959, %sub3A_960 : i32
    %dma_start3A_962 = arith.constant 0 : i32
    %dma_start3A_963 = tpu.memref_slice %arg6[%dma_start3A_962] : memref<16400xi32, #tpu.memory_space<vmem>> -> memref<16392xi32, #tpu.memory_space<vmem>>
    %dma_start3A_964 = tpu.memref_slice %arg2[%sub3A_961] : memref<4000000xi32, #tpu.memory_space<hbm>> -> memref<16392xi32, #tpu.memory_space<hbm>>
    %dma_start3A_965 = arith.constant 0 : i32
    %dma_start3A_966 = tpu.memref_slice %arg6[%dma_start3A_965] : memref<16400xi32, #tpu.memory_space<vmem>> -> memref<16392xi32, #tpu.memory_space<vmem>>
    %dma_start3A_967 = tpu.memref_slice %arg2[%sub3A_961] : memref<4000000xi32, #tpu.memory_space<hbm>> -> memref<16392xi32, #tpu.memory_space<hbm>>
    tpu.enqueue_dma source(%dma_start3A_967 : memref<16392xi32, #tpu.memory_space<hbm>>) target(%dma_start3A_966 : memref<16392xi32, #tpu.memory_space<vmem>>) target_semaphore(%arg13 : memref<!tpu.dma_semaphore, #tpu.memory_space<semaphore_mem>>)
    %dma_wait3A_968 = arith.constant 0 : i32
    %dma_wait3A_969 = tpu.memref_slice %arg7[%dma_wait3A_968] : memref<16400xi32, #tpu.memory_space<vmem>> -> memref<16392xi32, #tpu.memory_space<vmem>>
    %dma_wait3A_970 = tpu.memref_slice %arg2[%sub3A_939] : memref<4000000xi32, #tpu.memory_space<hbm>> -> memref<16392xi32, #tpu.memory_space<hbm>>
    %dma_wait3A_971 = arith.constant 0 : i32
    %dma_wait3A_972 = tpu.memref_slice %arg7[%dma_wait3A_971] : memref<16400xi32, #tpu.memory_space<vmem>> -> memref<16392xi32, #tpu.memory_space<vmem>>
    %dma_wait3A_973 = tpu.memref_slice %arg2[%sub3A_939] : memref<4000000xi32, #tpu.memory_space<hbm>> -> memref<16392xi32, #tpu.memory_space<hbm>>
    tpu.wait_dma2 semaphore(%arg14 : memref<!tpu.dma_semaphore, #tpu.memory_space<semaphore_mem>>) src(%dma_wait3A_973 : memref<16392xi32, #tpu.memory_space<hbm>>) dst(%dma_wait3A_972 : memref<16392xi32, #tpu.memory_space<vmem>>)
    %scan3A_974 = arith.constant 0 : i32
    %scan3A_975 = arith.constant 512 : i32
    %scan3A_976 = arith.addi %scan3A_974, %scan3A_975 : i32
    %scan3A_977 = arith.constant 1 : i32
    %scan3A_978 = scf.for %scan3A_1157 = %scan3A_974 to %scan3A_976 step %scan3A_977 iter_args(%scan3A_1158 = %scan3A_952) -> (vector<16xf32>)  : i32 {
      %mul3A_1159 = arith.constant 32 : i32
      %mul3A_1160 = arith.muli %scan3A_1157, %mul3A_1159 : i32
      %add3A_1161 = arith.constant 6 : i32
      %add3A_1162 = arith.addi %mul3A_1160, %add3A_1161 : i32
      %get3A_1163 = arith.index_cast %add3A_1162 : i32 to index
      %get3A_1164 = tpu.vector_load %arg7[%get3A_1163] {strides = array<i32>} : memref<16400xi32, #tpu.memory_space<vmem>>, vector<16xi32>,
      %add3A_1165 = arith.constant 7 : i32
      %add3A_1166 = arith.addi %mul3A_1160, %add3A_1165 : i32
      %get3A_1167 = arith.index_cast %add3A_1166 : i32 to index
      %get3A_1168 = tpu.vector_load %arg7[%get3A_1167] {strides = array<i32>} : memref<16400xi32, #tpu.memory_space<vmem>>, vector<16xi32>,
      %add3A_1169 = arith.constant 8 : i32
      %add3A_1170 = arith.addi %mul3A_1160, %add3A_1169 : i32
      %get3A_1171 = arith.index_cast %add3A_1170 : i32 to index
      %get3A_1172 = tpu.vector_load %arg7[%get3A_1171] {strides = array<i32>} : memref<16400xi32, #tpu.memory_space<vmem>>, vector<16xi32>,
      %mul3A_1173 = arith.constant 20 : i32
      %mul3A_1174 = vector.broadcast %mul3A_1173 : i32 to vector<16xi32>
      %mul3A_1175 = arith.muli %get3A_1164, %mul3A_1174 : vector<16xi32>
      %mul3A_1176 = arith.constant 4 : i32
      %mul3A_1177 = vector.broadcast %mul3A_1176 : i32 to vector<16xi32>
      %mul3A_1178 = arith.muli %get3A_1168, %mul3A_1177 : vector<16xi32>
      %add3A_1179 = arith.addi %mul3A_1175, %mul3A_1178 : vector<16xi32>
      %add3A_1180 = arith.addi %add3A_1179, %get3A_1172 : vector<16xi32>
      %gather3A = tpu.vector_load_idx %arg11[%add3A_1180] : memref<128xf32, #tpu.memory_space<vmem>>[vector<16xi32>], vector<16xf32>,
      %add3A_1181 = arith.constant 16 : i32
      %add3A_1182 = arith.addi %mul3A_1160, %add3A_1181 : i32
      %add3A_1183 = arith.constant 6 : i32
      %add3A_1184 = arith.addi %add3A_1182, %add3A_1183 : i32
      %get3A_1185 = arith.index_cast %add3A_1184 : i32 to index
      %get3A_1186 = tpu.vector_load %arg7[%get3A_1185] {strides = array<i32>} : memref<16400xi32, #tpu.memory_space<vmem>>, vector<16xi32>,
      %add3A_1187 = arith.constant 7 : i32
      %add3A_1188 = arith.addi %add3A_1182, %add3A_1187 : i32
      %get3A_1189 = arith.index_cast %add3A_1188 : i32 to index
      %get3A_1190 = tpu.vector_load %arg7[%get3A_1189] {strides = array<i32>} : memref<16400xi32, #tpu.memory_space<vmem>>, vector<16xi32>,
      %add3A_1191 = arith.constant 8 : i32
      %add3A_1192 = arith.addi %add3A_1182, %add3A_1191 : i32
      %get3A_1193 = arith.index_cast %add3A_1192 : i32 to index
      %get3A_1194 = tpu.vector_load %arg7[%get3A_1193] {strides = array<i32>} : memref<16400xi32, #tpu.memory_space<vmem>>, vector<16xi32>,
      %mul3A_1195 = arith.constant 20 : i32
      %mul3A_1196 = vector.broadcast %mul3A_1195 : i32 to vector<16xi32>
      %mul3A_1197 = arith.muli %get3A_1186, %mul3A_1196 : vector<16xi32>
      %mul3A_1198 = arith.constant 4 : i32
      %mul3A_1199 = vector.broadcast %mul3A_1198 : i32 to vector<16xi32>
      %mul3A_1200 = arith.muli %get3A_1190, %mul3A_1199 : vector<16xi32>
      %add3A_1201 = arith.addi %mul3A_1197, %mul3A_1200 : vector<16xi32>
      %add3A_1202 = arith.addi %add3A_1201, %get3A_1194 : vector<16xi32>
      %gather3A_1203 = tpu.vector_load_idx %arg11[%add3A_1202] : memref<128xf32, #tpu.memory_space<vmem>>[vector<16xi32>], vector<16xf32>,
      %swap3A_1204 = arith.index_cast %mul3A_1160 : i32 to index
      %swap3A_1205 = tpu.vector_load %arg9[%swap3A_1204] {strides = array<i32>} : memref<16384xf32, #tpu.memory_space<vmem>>, vector<16xf32>,
      tpu.vector_store %arg9[%swap3A_1204], %gather3A {strides = array<i32>} : memref<16384xf32, #tpu.memory_space<vmem>>, vector<16xf32>,
      %add3A_1206 = arith.constant 16 : i32
      %add3A_1207 = arith.addi %mul3A_1160, %add3A_1206 : i32
      %swap3A_1208 = arith.index_cast %add3A_1207 : i32 to index
      %swap3A_1209 = tpu.vector_load %arg9[%swap3A_1208] {strides = array<i32>} : memref<16384xf32, #tpu.memory_space<vmem>>, vector<16xf32>,
      tpu.vector_store %arg9[%swap3A_1208], %gather3A_1203 {strides = array<i32>} : memref<16384xf32, #tpu.memory_space<vmem>>, vector<16xf32>,
      %add3A_1210 = arith.addf %scan3A_1158, %gather3A : vector<16xf32>
      %add3A_1211 = arith.addf %add3A_1210, %gather3A_1203 : vector<16xf32>
      scf.yield %add3A_1211 : vector<16xf32>
    }
    %scan3A_979 = arith.constant 512 : i32
    %dma_start3A_980 = tpu.memref_slice %arg4[%add3A_957] : memref<4000000xf32, #tpu.memory_space<hbm>> -> memref<16384xf32, #tpu.memory_space<hbm>>
    %dma_start3A_981 = tpu.memref_slice %arg4[%add3A_957] : memref<4000000xf32, #tpu.memory_space<hbm>> -> memref<16384xf32, #tpu.memory_space<hbm>>
    tpu.enqueue_dma source(%arg9 : memref<16384xf32, #tpu.memory_space<vmem>>) target(%dma_start3A_981 : memref<16384xf32, #tpu.memory_space<hbm>>) target_semaphore(%arg16 : memref<!tpu.dma_semaphore, #tpu.memory_space<semaphore_mem>>)
    %add3A_982 = arith.constant 32768 : i32
    %add3A_983 = arith.addi %mul3A_8, %add3A_982 : i32
    %add3A_984 = arith.constant 49152 : i32
    %add3A_985 = arith.addi %mul3A_8, %add3A_984 : i32
    %sub3A_986 = arith.constant 8 : i32
    %sub3A_987 = arith.subi %add3A_985, %sub3A_986 : i32
    %dma_start3A_988 = arith.constant 0 : i32
    %dma_start3A_989 = tpu.memref_slice %arg7[%dma_start3A_988] : memref<16400xi32, #tpu.memory_space<vmem>> -> memref<16392xi32, #tpu.memory_space<vmem>>
    %dma_start3A_990 = tpu.memref_slice %arg2[%sub3A_987] : memref<4000000xi32, #tpu.memory_space<hbm>> -> memref<16392xi32, #tpu.memory_space<hbm>>
    %dma_start3A_991 = arith.constant 0 : i32
    %dma_start3A_992 = tpu.memref_slice %arg7[%dma_start3A_991] : memref<16400xi32, #tpu.memory_space<vmem>> -> memref<16392xi32, #tpu.memory_space<vmem>>
    %dma_start3A_993 = tpu.memref_slice %arg2[%sub3A_987] : memref<4000000xi32, #tpu.memory_space<hbm>> -> memref<16392xi32, #tpu.memory_space<hbm>>
    tpu.enqueue_dma source(%dma_start3A_993 : memref<16392xi32, #tpu.memory_space<hbm>>) target(%dma_start3A_992 : memref<16392xi32, #tpu.memory_space<vmem>>) target_semaphore(%arg14 : memref<!tpu.dma_semaphore, #tpu.memory_space<semaphore_mem>>)
    %dma_wait3A_994 = arith.constant 0 : i32
    %dma_wait3A_995 = tpu.memref_slice %arg6[%dma_wait3A_994] : memref<16400xi32, #tpu.memory_space<vmem>> -> memref<16392xi32, #tpu.memory_space<vmem>>
    %dma_wait3A_996 = tpu.memref_slice %arg2[%sub3A_961] : memref<4000000xi32, #tpu.memory_space<hbm>> -> memref<16392xi32, #tpu.memory_space<hbm>>
    %dma_wait3A_997 = arith.constant 0 : i32
    %dma_wait3A_998 = tpu.memref_slice %arg6[%dma_wait3A_997] : memref<16400xi32, #tpu.memory_space<vmem>> -> memref<16392xi32, #tpu.memory_space<vmem>>
    %dma_wait3A_999 = tpu.memref_slice %arg2[%sub3A_961] : memref<4000000xi32, #tpu.memory_space<hbm>> -> memref<16392xi32, #tpu.memory_space<hbm>>
    tpu.wait_dma2 semaphore(%arg13 : memref<!tpu.dma_semaphore, #tpu.memory_space<semaphore_mem>>) src(%dma_wait3A_999 : memref<16392xi32, #tpu.memory_space<hbm>>) dst(%dma_wait3A_998 : memref<16392xi32, #tpu.memory_space<vmem>>)
    %dma_wait3A_1000 = tpu.memref_slice %arg4[%add3A_935] : memref<4000000xf32, #tpu.memory_space<hbm>> -> memref<16384xf32, #tpu.memory_space<hbm>>
    %dma_wait3A_1001 = tpu.memref_slice %arg4[%add3A_935] : memref<4000000xf32, #tpu.memory_space<hbm>> -> memref<16384xf32, #tpu.memory_space<hbm>>
    tpu.wait_dma2 semaphore(%arg15 : memref<!tpu.dma_semaphore, #tpu.memory_space<semaphore_mem>>) src(%arg8 : memref<16384xf32, #tpu.memory_space<vmem>>) dst(%dma_wait3A_1001 : memref<16384xf32, #tpu.memory_space<hbm>>)
    %scan3A_1002 = arith.constant 0 : i32
    %scan3A_1003 = arith.constant 512 : i32
    %scan3A_1004 = arith.addi %scan3A_1002, %scan3A_1003 : i32
    %scan3A_1005 = arith.constant 1 : i32
    %scan3A_1006 = scf.for %scan3A_1157 = %scan3A_1002 to %scan3A_1004 step %scan3A_1005 iter_args(%scan3A_1158 = %scan3A_978) -> (vector<16xf32>)  : i32 {
      %mul3A_1159 = arith.constant 32 : i32
      %mul3A_1160 = arith.muli %scan3A_1157, %mul3A_1159 : i32
      %add3A_1161 = arith.constant 6 : i32
      %add3A_1162 = arith.addi %mul3A_1160, %add3A_1161 : i32
      %get3A_1163 = arith.index_cast %add3A_1162 : i32 to index
      %get3A_1164 = tpu.vector_load %arg6[%get3A_1163] {strides = array<i32>} : memref<16400xi32, #tpu.memory_space<vmem>>, vector<16xi32>,
      %add3A_1165 = arith.constant 7 : i32
      %add3A_1166 = arith.addi %mul3A_1160, %add3A_1165 : i32
      %get3A_1167 = arith.index_cast %add3A_1166 : i32 to index
      %get3A_1168 = tpu.vector_load %arg6[%get3A_1167] {strides = array<i32>} : memref<16400xi32, #tpu.memory_space<vmem>>, vector<16xi32>,
      %add3A_1169 = arith.constant 8 : i32
      %add3A_1170 = arith.addi %mul3A_1160, %add3A_1169 : i32
      %get3A_1171 = arith.index_cast %add3A_1170 : i32 to index
      %get3A_1172 = tpu.vector_load %arg6[%get3A_1171] {strides = array<i32>} : memref<16400xi32, #tpu.memory_space<vmem>>, vector<16xi32>,
      %mul3A_1173 = arith.constant 20 : i32
      %mul3A_1174 = vector.broadcast %mul3A_1173 : i32 to vector<16xi32>
      %mul3A_1175 = arith.muli %get3A_1164, %mul3A_1174 : vector<16xi32>
      %mul3A_1176 = arith.constant 4 : i32
      %mul3A_1177 = vector.broadcast %mul3A_1176 : i32 to vector<16xi32>
      %mul3A_1178 = arith.muli %get3A_1168, %mul3A_1177 : vector<16xi32>
      %add3A_1179 = arith.addi %mul3A_1175, %mul3A_1178 : vector<16xi32>
      %add3A_1180 = arith.addi %add3A_1179, %get3A_1172 : vector<16xi32>
      %gather3A = tpu.vector_load_idx %arg11[%add3A_1180] : memref<128xf32, #tpu.memory_space<vmem>>[vector<16xi32>], vector<16xf32>,
      %add3A_1181 = arith.constant 16 : i32
      %add3A_1182 = arith.addi %mul3A_1160, %add3A_1181 : i32
      %add3A_1183 = arith.constant 6 : i32
      %add3A_1184 = arith.addi %add3A_1182, %add3A_1183 : i32
      %get3A_1185 = arith.index_cast %add3A_1184 : i32 to index
      %get3A_1186 = tpu.vector_load %arg6[%get3A_1185] {strides = array<i32>} : memref<16400xi32, #tpu.memory_space<vmem>>, vector<16xi32>,
      %add3A_1187 = arith.constant 7 : i32
      %add3A_1188 = arith.addi %add3A_1182, %add3A_1187 : i32
      %get3A_1189 = arith.index_cast %add3A_1188 : i32 to index
      %get3A_1190 = tpu.vector_load %arg6[%get3A_1189] {strides = array<i32>} : memref<16400xi32, #tpu.memory_space<vmem>>, vector<16xi32>,
      %add3A_1191 = arith.constant 8 : i32
      %add3A_1192 = arith.addi %add3A_1182, %add3A_1191 : i32
      %get3A_1193 = arith.index_cast %add3A_1192 : i32 to index
      %get3A_1194 = tpu.vector_load %arg6[%get3A_1193] {strides = array<i32>} : memref<16400xi32, #tpu.memory_space<vmem>>, vector<16xi32>,
      %mul3A_1195 = arith.constant 20 : i32
      %mul3A_1196 = vector.broadcast %mul3A_1195 : i32 to vector<16xi32>
      %mul3A_1197 = arith.muli %get3A_1186, %mul3A_1196 : vector<16xi32>
      %mul3A_1198 = arith.constant 4 : i32
      %mul3A_1199 = vector.broadcast %mul3A_1198 : i32 to vector<16xi32>
      %mul3A_1200 = arith.muli %get3A_1190, %mul3A_1199 : vector<16xi32>
      %add3A_1201 = arith.addi %mul3A_1197, %mul3A_1200 : vector<16xi32>
      %add3A_1202 = arith.addi %add3A_1201, %get3A_1194 : vector<16xi32>
      %gather3A_1203 = tpu.vector_load_idx %arg11[%add3A_1202] : memref<128xf32, #tpu.memory_space<vmem>>[vector<16xi32>], vector<16xf32>,
      %swap3A_1204 = arith.index_cast %mul3A_1160 : i32 to index
      %swap3A_1205 = tpu.vector_load %arg8[%swap3A_1204] {strides = array<i32>} : memref<16384xf32, #tpu.memory_space<vmem>>, vector<16xf32>,
      tpu.vector_store %arg8[%swap3A_1204], %gather3A {strides = array<i32>} : memref<16384xf32, #tpu.memory_space<vmem>>, vector<16xf32>,
      %add3A_1206 = arith.constant 16 : i32
      %add3A_1207 = arith.addi %mul3A_1160, %add3A_1206 : i32
      %swap3A_1208 = arith.index_cast %add3A_1207 : i32 to index
      %swap3A_1209 = tpu.vector_load %arg8[%swap3A_1208] {strides = array<i32>} : memref<16384xf32, #tpu.memory_space<vmem>>, vector<16xf32>,
      tpu.vector_store %arg8[%swap3A_1208], %gather3A_1203 {strides = array<i32>} : memref<16384xf32, #tpu.memory_space<vmem>>, vector<16xf32>,
      %add3A_1210 = arith.addf %scan3A_1158, %gather3A : vector<16xf32>
      %add3A_1211 = arith.addf %add3A_1210, %gather3A_1203 : vector<16xf32>
      scf.yield %add3A_1211 : vector<16xf32>
    }
    %scan3A_1007 = arith.constant 512 : i32
    %dma_start3A_1008 = tpu.memref_slice %arg4[%add3A_983] : memref<4000000xf32, #tpu.memory_space<hbm>> -> memref<16384xf32, #tpu.memory_space<hbm>>
    %dma_start3A_1009 = tpu.memref_slice %arg4[%add3A_983] : memref<4000000xf32, #tpu.memory_space<hbm>> -> memref<16384xf32, #tpu.memory_space<hbm>>
    tpu.enqueue_dma source(%arg8 : memref<16384xf32, #tpu.memory_space<vmem>>) target(%dma_start3A_1009 : memref<16384xf32, #tpu.memory_space<hbm>>) target_semaphore(%arg15 : memref<!tpu.dma_semaphore, #tpu.memory_space<semaphore_mem>>)
    %add3A_1010 = arith.constant 49152 : i32
    %add3A_1011 = arith.addi %mul3A_8, %add3A_1010 : i32
    %add3A_1012 = arith.constant 65536 : i32
    %add3A_1013 = arith.addi %mul3A_8, %add3A_1012 : i32
    %sub3A_1014 = arith.constant 8 : i32
    %sub3A_1015 = arith.subi %add3A_1013, %sub3A_1014 : i32
    %dma_start3A_1016 = arith.constant 0 : i32
    %dma_start3A_1017 = tpu.memref_slice %arg6[%dma_start3A_1016] : memref<16400xi32, #tpu.memory_space<vmem>> -> memref<16392xi32, #tpu.memory_space<vmem>>
    %dma_start3A_1018 = tpu.memref_slice %arg2[%sub3A_1015] : memref<4000000xi32, #tpu.memory_space<hbm>> -> memref<16392xi32, #tpu.memory_space<hbm>>
    %dma_start3A_1019 = arith.constant 0 : i32
    %dma_start3A_1020 = tpu.memref_slice %arg6[%dma_start3A_1019] : memref<16400xi32, #tpu.memory_space<vmem>> -> memref<16392xi32, #tpu.memory_space<vmem>>
    %dma_start3A_1021 = tpu.memref_slice %arg2[%sub3A_1015] : memref<4000000xi32, #tpu.memory_space<hbm>> -> memref<16392xi32, #tpu.memory_space<hbm>>
    tpu.enqueue_dma source(%dma_start3A_1021 : memref<16392xi32, #tpu.memory_space<hbm>>) target(%dma_start3A_1020 : memref<16392xi32, #tpu.memory_space<vmem>>) target_semaphore(%arg13 : memref<!tpu.dma_semaphore, #tpu.memory_space<semaphore_mem>>)
    %dma_wait3A_1022 = arith.constant 0 : i32
    %dma_wait3A_1023 = tpu.memref_slice %arg7[%dma_wait3A_1022] : memref<16400xi32, #tpu.memory_space<vmem>> -> memref<16392xi32, #tpu.memory_space<vmem>>
    %dma_wait3A_1024 = tpu.memref_slice %arg2[%sub3A_987] : memref<4000000xi32, #tpu.memory_space<hbm>> -> memref<16392xi32, #tpu.memory_space<hbm>>
    %dma_wait3A_1025 = arith.constant 0 : i32
    %dma_wait3A_1026 = tpu.memref_slice %arg7[%dma_wait3A_1025] : memref<16400xi32, #tpu.memory_space<vmem>> -> memref<16392xi32, #tpu.memory_space<vmem>>
    %dma_wait3A_1027 = tpu.memref_slice %arg2[%sub3A_987] : memref<4000000xi32, #tpu.memory_space<hbm>> -> memref<16392xi32, #tpu.memory_space<hbm>>
    tpu.wait_dma2 semaphore(%arg14 : memref<!tpu.dma_semaphore, #tpu.memory_space<semaphore_mem>>) src(%dma_wait3A_1027 : memref<16392xi32, #tpu.memory_space<hbm>>) dst(%dma_wait3A_1026 : memref<16392xi32, #tpu.memory_space<vmem>>)
    %dma_wait3A_1028 = tpu.memref_slice %arg4[%add3A_957] : memref<4000000xf32, #tpu.memory_space<hbm>> -> memref<16384xf32, #tpu.memory_space<hbm>>
    %dma_wait3A_1029 = tpu.memref_slice %arg4[%add3A_957] : memref<4000000xf32, #tpu.memory_space<hbm>> -> memref<16384xf32, #tpu.memory_space<hbm>>
    tpu.wait_dma2 semaphore(%arg16 : memref<!tpu.dma_semaphore, #tpu.memory_space<semaphore_mem>>) src(%arg9 : memref<16384xf32, #tpu.memory_space<vmem>>) dst(%dma_wait3A_1029 : memref<16384xf32, #tpu.memory_space<hbm>>)
    %scan3A_1030 = arith.constant 0 : i32
    %scan3A_1031 = arith.constant 512 : i32
    %scan3A_1032 = arith.addi %scan3A_1030, %scan3A_1031 : i32
    %scan3A_1033 = arith.constant 1 : i32
    %scan3A_1034 = scf.for %scan3A_1157 = %scan3A_1030 to %scan3A_1032 step %scan3A_1033 iter_args(%scan3A_1158 = %scan3A_1006) -> (vector<16xf32>)  : i32 {
      %mul3A_1159 = arith.constant 32 : i32
      %mul3A_1160 = arith.muli %scan3A_1157, %mul3A_1159 : i32
      %add3A_1161 = arith.constant 6 : i32
      %add3A_1162 = arith.addi %mul3A_1160, %add3A_1161 : i32
      %get3A_1163 = arith.index_cast %add3A_1162 : i32 to index
      %get3A_1164 = tpu.vector_load %arg7[%get3A_1163] {strides = array<i32>} : memref<16400xi32, #tpu.memory_space<vmem>>, vector<16xi32>,
      %add3A_1165 = arith.constant 7 : i32
      %add3A_1166 = arith.addi %mul3A_1160, %add3A_1165 : i32
      %get3A_1167 = arith.index_cast %add3A_1166 : i32 to index
      %get3A_1168 = tpu.vector_load %arg7[%get3A_1167] {strides = array<i32>} : memref<16400xi32, #tpu.memory_space<vmem>>, vector<16xi32>,
      %add3A_1169 = arith.constant 8 : i32
      %add3A_1170 = arith.addi %mul3A_1160, %add3A_1169 : i32
      %get3A_1171 = arith.index_cast %add3A_1170 : i32 to index
      %get3A_1172 = tpu.vector_load %arg7[%get3A_1171] {strides = array<i32>} : memref<16400xi32, #tpu.memory_space<vmem>>, vector<16xi32>,
      %mul3A_1173 = arith.constant 20 : i32
      %mul3A_1174 = vector.broadcast %mul3A_1173 : i32 to vector<16xi32>
      %mul3A_1175 = arith.muli %get3A_1164, %mul3A_1174 : vector<16xi32>
      %mul3A_1176 = arith.constant 4 : i32
      %mul3A_1177 = vector.broadcast %mul3A_1176 : i32 to vector<16xi32>
      %mul3A_1178 = arith.muli %get3A_1168, %mul3A_1177 : vector<16xi32>
      %add3A_1179 = arith.addi %mul3A_1175, %mul3A_1178 : vector<16xi32>
      %add3A_1180 = arith.addi %add3A_1179, %get3A_1172 : vector<16xi32>
      %gather3A = tpu.vector_load_idx %arg11[%add3A_1180] : memref<128xf32, #tpu.memory_space<vmem>>[vector<16xi32>], vector<16xf32>,
      %add3A_1181 = arith.constant 16 : i32
      %add3A_1182 = arith.addi %mul3A_1160, %add3A_1181 : i32
      %add3A_1183 = arith.constant 6 : i32
      %add3A_1184 = arith.addi %add3A_1182, %add3A_1183 : i32
      %get3A_1185 = arith.index_cast %add3A_1184 : i32 to index
      %get3A_1186 = tpu.vector_load %arg7[%get3A_1185] {strides = array<i32>} : memref<16400xi32, #tpu.memory_space<vmem>>, vector<16xi32>,
      %add3A_1187 = arith.constant 7 : i32
      %add3A_1188 = arith.addi %add3A_1182, %add3A_1187 : i32
      %get3A_1189 = arith.index_cast %add3A_1188 : i32 to index
      %get3A_1190 = tpu.vector_load %arg7[%get3A_1189] {strides = array<i32>} : memref<16400xi32, #tpu.memory_space<vmem>>, vector<16xi32>,
      %add3A_1191 = arith.constant 8 : i32
      %add3A_1192 = arith.addi %add3A_1182, %add3A_1191 : i32
      %get3A_1193 = arith.index_cast %add3A_1192 : i32 to index
      %get3A_1194 = tpu.vector_load %arg7[%get3A_1193] {strides = array<i32>} : memref<16400xi32, #tpu.memory_space<vmem>>, vector<16xi32>,
      %mul3A_1195 = arith.constant 20 : i32
      %mul3A_1196 = vector.broadcast %mul3A_1195 : i32 to vector<16xi32>
      %mul3A_1197 = arith.muli %get3A_1186, %mul3A_1196 : vector<16xi32>
      %mul3A_1198 = arith.constant 4 : i32
      %mul3A_1199 = vector.broadcast %mul3A_1198 : i32 to vector<16xi32>
      %mul3A_1200 = arith.muli %get3A_1190, %mul3A_1199 : vector<16xi32>
      %add3A_1201 = arith.addi %mul3A_1197, %mul3A_1200 : vector<16xi32>
      %add3A_1202 = arith.addi %add3A_1201, %get3A_1194 : vector<16xi32>
      %gather3A_1203 = tpu.vector_load_idx %arg11[%add3A_1202] : memref<128xf32, #tpu.memory_space<vmem>>[vector<16xi32>], vector<16xf32>,
      %swap3A_1204 = arith.index_cast %mul3A_1160 : i32 to index
      %swap3A_1205 = tpu.vector_load %arg9[%swap3A_1204] {strides = array<i32>} : memref<16384xf32, #tpu.memory_space<vmem>>, vector<16xf32>,
      tpu.vector_store %arg9[%swap3A_1204], %gather3A {strides = array<i32>} : memref<16384xf32, #tpu.memory_space<vmem>>, vector<16xf32>,
      %add3A_1206 = arith.constant 16 : i32
      %add3A_1207 = arith.addi %mul3A_1160, %add3A_1206 : i32
      %swap3A_1208 = arith.index_cast %add3A_1207 : i32 to index
      %swap3A_1209 = tpu.vector_load %arg9[%swap3A_1208] {strides = array<i32>} : memref<16384xf32, #tpu.memory_space<vmem>>, vector<16xf32>,
      tpu.vector_store %arg9[%swap3A_1208], %gather3A_1203 {strides = array<i32>} : memref<16384xf32, #tpu.memory_space<vmem>>, vector<16xf32>,
      %add3A_1210 = arith.addf %scan3A_1158, %gather3A : vector<16xf32>
      %add3A_1211 = arith.addf %add3A_1210, %gather3A_1203 : vector<16xf32>
      scf.yield %add3A_1211 : vector<16xf32>
    }
    %scan3A_1035 = arith.constant 512 : i32
    %dma_start3A_1036 = tpu.memref_slice %arg4[%add3A_1011] : memref<4000000xf32, #tpu.memory_space<hbm>> -> memref<16384xf32, #tpu.memory_space<hbm>>
    %dma_start3A_1037 = tpu.memref_slice %arg4[%add3A_1011] : memref<4000000xf32, #tpu.memory_space<hbm>> -> memref<16384xf32, #tpu.memory_space<hbm>>
    tpu.enqueue_dma source(%arg9 : memref<16384xf32, #tpu.memory_space<vmem>>) target(%dma_start3A_1037 : memref<16384xf32, #tpu.memory_space<hbm>>) target_semaphore(%arg16 : memref<!tpu.dma_semaphore, #tpu.memory_space<semaphore_mem>>)
    %add3A_1038 = arith.constant 65536 : i32
    %add3A_1039 = arith.addi %mul3A_8, %add3A_1038 : i32
    %add3A_1040 = arith.constant 81920 : i32
    %add3A_1041 = arith.addi %mul3A_8, %add3A_1040 : i32
    %sub3A_1042 = arith.constant 8 : i32
    %sub3A_1043 = arith.subi %add3A_1041, %sub3A_1042 : i32
    %dma_start3A_1044 = arith.constant 0 : i32
    %dma_start3A_1045 = tpu.memref_slice %arg7[%dma_start3A_1044] : memref<16400xi32, #tpu.memory_space<vmem>> -> memref<16392xi32, #tpu.memory_space<vmem>>
    %dma_start3A_1046 = tpu.memref_slice %arg2[%sub3A_1043] : memref<4000000xi32, #tpu.memory_space<hbm>> -> memref<16392xi32, #tpu.memory_space<hbm>>
    %dma_start3A_1047 = arith.constant 0 : i32
    %dma_start3A_1048 = tpu.memref_slice %arg7[%dma_start3A_1047] : memref<16400xi32, #tpu.memory_space<vmem>> -> memref<16392xi32, #tpu.memory_space<vmem>>
    %dma_start3A_1049 = tpu.memref_slice %arg2[%sub3A_1043] : memref<4000000xi32, #tpu.memory_space<hbm>> -> memref<16392xi32, #tpu.memory_space<hbm>>
    tpu.enqueue_dma source(%dma_start3A_1049 : memref<16392xi32, #tpu.memory_space<hbm>>) target(%dma_start3A_1048 : memref<16392xi32, #tpu.memory_space<vmem>>) target_semaphore(%arg14 : memref<!tpu.dma_semaphore, #tpu.memory_space<semaphore_mem>>)
    %dma_wait3A_1050 = arith.constant 0 : i32
    %dma_wait3A_1051 = tpu.memref_slice %arg6[%dma_wait3A_1050] : memref<16400xi32, #tpu.memory_space<vmem>> -> memref<16392xi32, #tpu.memory_space<vmem>>
    %dma_wait3A_1052 = tpu.memref_slice %arg2[%sub3A_1015] : memref<4000000xi32, #tpu.memory_space<hbm>> -> memref<16392xi32, #tpu.memory_space<hbm>>
    %dma_wait3A_1053 = arith.constant 0 : i32
    %dma_wait3A_1054 = tpu.memref_slice %arg6[%dma_wait3A_1053] : memref<16400xi32, #tpu.memory_space<vmem>> -> memref<16392xi32, #tpu.memory_space<vmem>>
    %dma_wait3A_1055 = tpu.memref_slice %arg2[%sub3A_1015] : memref<4000000xi32, #tpu.memory_space<hbm>> -> memref<16392xi32, #tpu.memory_space<hbm>>
    tpu.wait_dma2 semaphore(%arg13 : memref<!tpu.dma_semaphore, #tpu.memory_space<semaphore_mem>>) src(%dma_wait3A_1055 : memref<16392xi32, #tpu.memory_space<hbm>>) dst(%dma_wait3A_1054 : memref<16392xi32, #tpu.memory_space<vmem>>)
    %dma_wait3A_1056 = tpu.memref_slice %arg4[%add3A_983] : memref<4000000xf32, #tpu.memory_space<hbm>> -> memref<16384xf32, #tpu.memory_space<hbm>>
    %dma_wait3A_1057 = tpu.memref_slice %arg4[%add3A_983] : memref<4000000xf32, #tpu.memory_space<hbm>> -> memref<16384xf32, #tpu.memory_space<hbm>>
    tpu.wait_dma2 semaphore(%arg15 : memref<!tpu.dma_semaphore, #tpu.memory_space<semaphore_mem>>) src(%arg8 : memref<16384xf32, #tpu.memory_space<vmem>>) dst(%dma_wait3A_1057 : memref<16384xf32, #tpu.memory_space<hbm>>)
    %scan3A_1058 = arith.constant 0 : i32
    %scan3A_1059 = arith.constant 512 : i32
    %scan3A_1060 = arith.addi %scan3A_1058, %scan3A_1059 : i32
    %scan3A_1061 = arith.constant 1 : i32
    %scan3A_1062 = scf.for %scan3A_1157 = %scan3A_1058 to %scan3A_1060 step %scan3A_1061 iter_args(%scan3A_1158 = %scan3A_1034) -> (vector<16xf32>)  : i32 {
      %mul3A_1159 = arith.constant 32 : i32
      %mul3A_1160 = arith.muli %scan3A_1157, %mul3A_1159 : i32
      %add3A_1161 = arith.constant 6 : i32
      %add3A_1162 = arith.addi %mul3A_1160, %add3A_1161 : i32
      %get3A_1163 = arith.index_cast %add3A_1162 : i32 to index
      %get3A_1164 = tpu.vector_load %arg6[%get3A_1163] {strides = array<i32>} : memref<16400xi32, #tpu.memory_space<vmem>>, vector<16xi32>,
      %add3A_1165 = arith.constant 7 : i32
      %add3A_1166 = arith.addi %mul3A_1160, %add3A_1165 : i32
      %get3A_1167 = arith.index_cast %add3A_1166 : i32 to index
      %get3A_1168 = tpu.vector_load %arg6[%get3A_1167] {strides = array<i32>} : memref<16400xi32, #tpu.memory_space<vmem>>, vector<16xi32>,
      %add3A_1169 = arith.constant 8 : i32
      %add3A_1170 = arith.addi %mul3A_1160, %add3A_1169 : i32
      %get3A_1171 = arith.index_cast %add3A_1170 : i32 to index
      %get3A_1172 = tpu.vector_load %arg6[%get3A_1171] {strides = array<i32>} : memref<16400xi32, #tpu.memory_space<vmem>>, vector<16xi32>,
      %mul3A_1173 = arith.constant 20 : i32
      %mul3A_1174 = vector.broadcast %mul3A_1173 : i32 to vector<16xi32>
      %mul3A_1175 = arith.muli %get3A_1164, %mul3A_1174 : vector<16xi32>
      %mul3A_1176 = arith.constant 4 : i32
      %mul3A_1177 = vector.broadcast %mul3A_1176 : i32 to vector<16xi32>
      %mul3A_1178 = arith.muli %get3A_1168, %mul3A_1177 : vector<16xi32>
      %add3A_1179 = arith.addi %mul3A_1175, %mul3A_1178 : vector<16xi32>
      %add3A_1180 = arith.addi %add3A_1179, %get3A_1172 : vector<16xi32>
      %gather3A = tpu.vector_load_idx %arg11[%add3A_1180] : memref<128xf32, #tpu.memory_space<vmem>>[vector<16xi32>], vector<16xf32>,
      %add3A_1181 = arith.constant 16 : i32
      %add3A_1182 = arith.addi %mul3A_1160, %add3A_1181 : i32
      %add3A_1183 = arith.constant 6 : i32
      %add3A_1184 = arith.addi %add3A_1182, %add3A_1183 : i32
      %get3A_1185 = arith.index_cast %add3A_1184 : i32 to index
      %get3A_1186 = tpu.vector_load %arg6[%get3A_1185] {strides = array<i32>} : memref<16400xi32, #tpu.memory_space<vmem>>, vector<16xi32>,
      %add3A_1187 = arith.constant 7 : i32
      %add3A_1188 = arith.addi %add3A_1182, %add3A_1187 : i32
      %get3A_1189 = arith.index_cast %add3A_1188 : i32 to index
      %get3A_1190 = tpu.vector_load %arg6[%get3A_1189] {strides = array<i32>} : memref<16400xi32, #tpu.memory_space<vmem>>, vector<16xi32>,
      %add3A_1191 = arith.constant 8 : i32
      %add3A_1192 = arith.addi %add3A_1182, %add3A_1191 : i32
      %get3A_1193 = arith.index_cast %add3A_1192 : i32 to index
      %get3A_1194 = tpu.vector_load %arg6[%get3A_1193] {strides = array<i32>} : memref<16400xi32, #tpu.memory_space<vmem>>, vector<16xi32>,
      %mul3A_1195 = arith.constant 20 : i32
      %mul3A_1196 = vector.broadcast %mul3A_1195 : i32 to vector<16xi32>
      %mul3A_1197 = arith.muli %get3A_1186, %mul3A_1196 : vector<16xi32>
      %mul3A_1198 = arith.constant 4 : i32
      %mul3A_1199 = vector.broadcast %mul3A_1198 : i32 to vector<16xi32>
      %mul3A_1200 = arith.muli %get3A_1190, %mul3A_1199 : vector<16xi32>
      %add3A_1201 = arith.addi %mul3A_1197, %mul3A_1200 : vector<16xi32>
      %add3A_1202 = arith.addi %add3A_1201, %get3A_1194 : vector<16xi32>
      %gather3A_1203 = tpu.vector_load_idx %arg11[%add3A_1202] : memref<128xf32, #tpu.memory_space<vmem>>[vector<16xi32>], vector<16xf32>,
      %swap3A_1204 = arith.index_cast %mul3A_1160 : i32 to index
      %swap3A_1205 = tpu.vector_load %arg8[%swap3A_1204] {strides = array<i32>} : memref<16384xf32, #tpu.memory_space<vmem>>, vector<16xf32>,
      tpu.vector_store %arg8[%swap3A_1204], %gather3A {strides = array<i32>} : memref<16384xf32, #tpu.memory_space<vmem>>, vector<16xf32>,
      %add3A_1206 = arith.constant 16 : i32
      %add3A_1207 = arith.addi %mul3A_1160, %add3A_1206 : i32
      %swap3A_1208 = arith.index_cast %add3A_1207 : i32 to index
      %swap3A_1209 = tpu.vector_load %arg8[%swap3A_1208] {strides = array<i32>} : memref<16384xf32, #tpu.memory_space<vmem>>, vector<16xf32>,
      tpu.vector_store %arg8[%swap3A_1208], %gather3A_1203 {strides = array<i32>} : memref<16384xf32, #tpu.memory_space<vmem>>, vector<16xf32>,
      %add3A_1210 = arith.addf %scan3A_1158, %gather3A : vector<16xf32>
      %add3A_1211 = arith.addf %add3A_1210, %gather3A_1203 : vector<16xf32>
      scf.yield %add3A_1211 : vector<16xf32>
    }
    %scan3A_1063 = arith.constant 512 : i32
    %dma_start3A_1064 = tpu.memref_slice %arg4[%add3A_1039] : memref<4000000xf32, #tpu.memory_space<hbm>> -> memref<16384xf32, #tpu.memory_space<hbm>>
    %dma_start3A_1065 = tpu.memref_slice %arg4[%add3A_1039] : memref<4000000xf32, #tpu.memory_space<hbm>> -> memref<16384xf32, #tpu.memory_space<hbm>>
    tpu.enqueue_dma source(%arg8 : memref<16384xf32, #tpu.memory_space<vmem>>) target(%dma_start3A_1065 : memref<16384xf32, #tpu.memory_space<hbm>>) target_semaphore(%arg15 : memref<!tpu.dma_semaphore, #tpu.memory_space<semaphore_mem>>)
    %add3A_1066 = arith.constant 81920 : i32
    %add3A_1067 = arith.addi %mul3A_8, %add3A_1066 : i32
    %add3A_1068 = arith.constant 98304 : i32
    %add3A_1069 = arith.addi %mul3A_8, %add3A_1068 : i32
    %sub3A_1070 = arith.constant 8 : i32
    %sub3A_1071 = arith.subi %add3A_1069, %sub3A_1070 : i32
    %dma_start3A_1072 = arith.constant 0 : i32
    %dma_start3A_1073 = tpu.memref_slice %arg6[%dma_start3A_1072] : memref<16400xi32, #tpu.memory_space<vmem>> -> memref<16392xi32, #tpu.memory_space<vmem>>
    %dma_start3A_1074 = tpu.memref_slice %arg2[%sub3A_1071] : memref<4000000xi32, #tpu.memory_space<hbm>> -> memref<16392xi32, #tpu.memory_space<hbm>>
    %dma_start3A_1075 = arith.constant 0 : i32
    %dma_start3A_1076 = tpu.memref_slice %arg6[%dma_start3A_1075] : memref<16400xi32, #tpu.memory_space<vmem>> -> memref<16392xi32, #tpu.memory_space<vmem>>
    %dma_start3A_1077 = tpu.memref_slice %arg2[%sub3A_1071] : memref<4000000xi32, #tpu.memory_space<hbm>> -> memref<16392xi32, #tpu.memory_space<hbm>>
    tpu.enqueue_dma source(%dma_start3A_1077 : memref<16392xi32, #tpu.memory_space<hbm>>) target(%dma_start3A_1076 : memref<16392xi32, #tpu.memory_space<vmem>>) target_semaphore(%arg13 : memref<!tpu.dma_semaphore, #tpu.memory_space<semaphore_mem>>)
    %dma_wait3A_1078 = arith.constant 0 : i32
    %dma_wait3A_1079 = tpu.memref_slice %arg7[%dma_wait3A_1078] : memref<16400xi32, #tpu.memory_space<vmem>> -> memref<16392xi32, #tpu.memory_space<vmem>>
    %dma_wait3A_1080 = tpu.memref_slice %arg2[%sub3A_1043] : memref<4000000xi32, #tpu.memory_space<hbm>> -> memref<16392xi32, #tpu.memory_space<hbm>>
    %dma_wait3A_1081 = arith.constant 0 : i32
    %dma_wait3A_1082 = tpu.memref_slice %arg7[%dma_wait3A_1081] : memref<16400xi32, #tpu.memory_space<vmem>> -> memref<16392xi32, #tpu.memory_space<vmem>>
    %dma_wait3A_1083 = tpu.memref_slice %arg2[%sub3A_1043] : memref<4000000xi32, #tpu.memory_space<hbm>> -> memref<16392xi32, #tpu.memory_space<hbm>>
    tpu.wait_dma2 semaphore(%arg14 : memref<!tpu.dma_semaphore, #tpu.memory_space<semaphore_mem>>) src(%dma_wait3A_1083 : memref<16392xi32, #tpu.memory_space<hbm>>) dst(%dma_wait3A_1082 : memref<16392xi32, #tpu.memory_space<vmem>>)
    %dma_wait3A_1084 = tpu.memref_slice %arg4[%add3A_1011] : memref<4000000xf32, #tpu.memory_space<hbm>> -> memref<16384xf32, #tpu.memory_space<hbm>>
    %dma_wait3A_1085 = tpu.memref_slice %arg4[%add3A_1011] : memref<4000000xf32, #tpu.memory_space<hbm>> -> memref<16384xf32, #tpu.memory_space<hbm>>
    tpu.wait_dma2 semaphore(%arg16 : memref<!tpu.dma_semaphore, #tpu.memory_space<semaphore_mem>>) src(%arg9 : memref<16384xf32, #tpu.memory_space<vmem>>) dst(%dma_wait3A_1085 : memref<16384xf32, #tpu.memory_space<hbm>>)
    %scan3A_1086 = arith.constant 0 : i32
    %scan3A_1087 = arith.constant 512 : i32
    %scan3A_1088 = arith.addi %scan3A_1086, %scan3A_1087 : i32
    %scan3A_1089 = arith.constant 1 : i32
    %scan3A_1090 = scf.for %scan3A_1157 = %scan3A_1086 to %scan3A_1088 step %scan3A_1089 iter_args(%scan3A_1158 = %scan3A_1062) -> (vector<16xf32>)  : i32 {
      %mul3A_1159 = arith.constant 32 : i32
      %mul3A_1160 = arith.muli %scan3A_1157, %mul3A_1159 : i32
      %add3A_1161 = arith.constant 6 : i32
      %add3A_1162 = arith.addi %mul3A_1160, %add3A_1161 : i32
      %get3A_1163 = arith.index_cast %add3A_1162 : i32 to index
      %get3A_1164 = tpu.vector_load %arg7[%get3A_1163] {strides = array<i32>} : memref<16400xi32, #tpu.memory_space<vmem>>, vector<16xi32>,
      %add3A_1165 = arith.constant 7 : i32
      %add3A_1166 = arith.addi %mul3A_1160, %add3A_1165 : i32
      %get3A_1167 = arith.index_cast %add3A_1166 : i32 to index
      %get3A_1168 = tpu.vector_load %arg7[%get3A_1167] {strides = array<i32>} : memref<16400xi32, #tpu.memory_space<vmem>>, vector<16xi32>,
      %add3A_1169 = arith.constant 8 : i32
      %add3A_1170 = arith.addi %mul3A_1160, %add3A_1169 : i32
      %get3A_1171 = arith.index_cast %add3A_1170 : i32 to index
      %get3A_1172 = tpu.vector_load %arg7[%get3A_1171] {strides = array<i32>} : memref<16400xi32, #tpu.memory_space<vmem>>, vector<16xi32>,
      %mul3A_1173 = arith.constant 20 : i32
      %mul3A_1174 = vector.broadcast %mul3A_1173 : i32 to vector<16xi32>
      %mul3A_1175 = arith.muli %get3A_1164, %mul3A_1174 : vector<16xi32>
      %mul3A_1176 = arith.constant 4 : i32
      %mul3A_1177 = vector.broadcast %mul3A_1176 : i32 to vector<16xi32>
      %mul3A_1178 = arith.muli %get3A_1168, %mul3A_1177 : vector<16xi32>
      %add3A_1179 = arith.addi %mul3A_1175, %mul3A_1178 : vector<16xi32>
      %add3A_1180 = arith.addi %add3A_1179, %get3A_1172 : vector<16xi32>
      %gather3A = tpu.vector_load_idx %arg11[%add3A_1180] : memref<128xf32, #tpu.memory_space<vmem>>[vector<16xi32>], vector<16xf32>,
      %add3A_1181 = arith.constant 16 : i32
      %add3A_1182 = arith.addi %mul3A_1160, %add3A_1181 : i32
      %add3A_1183 = arith.constant 6 : i32
      %add3A_1184 = arith.addi %add3A_1182, %add3A_1183 : i32
      %get3A_1185 = arith.index_cast %add3A_1184 : i32 to index
      %get3A_1186 = tpu.vector_load %arg7[%get3A_1185] {strides = array<i32>} : memref<16400xi32, #tpu.memory_space<vmem>>, vector<16xi32>,
      %add3A_1187 = arith.constant 7 : i32
      %add3A_1188 = arith.addi %add3A_1182, %add3A_1187 : i32
      %get3A_1189 = arith.index_cast %add3A_1188 : i32 to index
      %get3A_1190 = tpu.vector_load %arg7[%get3A_1189] {strides = array<i32>} : memref<16400xi32, #tpu.memory_space<vmem>>, vector<16xi32>,
      %add3A_1191 = arith.constant 8 : i32
      %add3A_1192 = arith.addi %add3A_1182, %add3A_1191 : i32
      %get3A_1193 = arith.index_cast %add3A_1192 : i32 to index
      %get3A_1194 = tpu.vector_load %arg7[%get3A_1193] {strides = array<i32>} : memref<16400xi32, #tpu.memory_space<vmem>>, vector<16xi32>,
      %mul3A_1195 = arith.constant 20 : i32
      %mul3A_1196 = vector.broadcast %mul3A_1195 : i32 to vector<16xi32>
      %mul3A_1197 = arith.muli %get3A_1186, %mul3A_1196 : vector<16xi32>
      %mul3A_1198 = arith.constant 4 : i32
      %mul3A_1199 = vector.broadcast %mul3A_1198 : i32 to vector<16xi32>
      %mul3A_1200 = arith.muli %get3A_1190, %mul3A_1199 : vector<16xi32>
      %add3A_1201 = arith.addi %mul3A_1197, %mul3A_1200 : vector<16xi32>
      %add3A_1202 = arith.addi %add3A_1201, %get3A_1194 : vector<16xi32>
      %gather3A_1203 = tpu.vector_load_idx %arg11[%add3A_1202] : memref<128xf32, #tpu.memory_space<vmem>>[vector<16xi32>], vector<16xf32>,
      %swap3A_1204 = arith.index_cast %mul3A_1160 : i32 to index
      %swap3A_1205 = tpu.vector_load %arg9[%swap3A_1204] {strides = array<i32>} : memref<16384xf32, #tpu.memory_space<vmem>>, vector<16xf32>,
      tpu.vector_store %arg9[%swap3A_1204], %gather3A {strides = array<i32>} : memref<16384xf32, #tpu.memory_space<vmem>>, vector<16xf32>,
      %add3A_1206 = arith.constant 16 : i32
      %add3A_1207 = arith.addi %mul3A_1160, %add3A_1206 : i32
      %swap3A_1208 = arith.index_cast %add3A_1207 : i32 to index
      %swap3A_1209 = tpu.vector_load %arg9[%swap3A_1208] {strides = array<i32>} : memref<16384xf32, #tpu.memory_space<vmem>>, vector<16xf32>,
      tpu.vector_store %arg9[%swap3A_1208], %gather3A_1203 {strides = array<i32>} : memref<16384xf32, #tpu.memory_space<vmem>>, vector<16xf32>,
      %add3A_1210 = arith.addf %scan3A_1158, %gather3A : vector<16xf32>
      %add3A_1211 = arith.addf %add3A_1210, %gather3A_1203 : vector<16xf32>
      scf.yield %add3A_1211 : vector<16xf32>
    }
    %scan3A_1091 = arith.constant 512 : i32
    %dma_start3A_1092 = tpu.memref_slice %arg4[%add3A_1067] : memref<4000000xf32, #tpu.memory_space<hbm>> -> memref<16384xf32, #tpu.memory_space<hbm>>
    %dma_start3A_1093 = tpu.memref_slice %arg4[%add3A_1067] : memref<4000000xf32, #tpu.memory_space<hbm>> -> memref<16384xf32, #tpu.memory_space<hbm>>
    tpu.enqueue_dma source(%arg9 : memref<16384xf32, #tpu.memory_space<vmem>>) target(%dma_start3A_1093 : memref<16384xf32, #tpu.memory_space<hbm>>) target_semaphore(%arg16 : memref<!tpu.dma_semaphore, #tpu.memory_space<semaphore_mem>>)
    %add3A_1094 = arith.constant 98304 : i32
    %add3A_1095 = arith.addi %mul3A_8, %add3A_1094 : i32
    %dma_wait3A_1096 = arith.constant 0 : i32
    %dma_wait3A_1097 = tpu.memref_slice %arg6[%dma_wait3A_1096] : memref<16400xi32, #tpu.memory_space<vmem>> -> memref<16392xi32, #tpu.memory_space<vmem>>
    %dma_wait3A_1098 = tpu.memref_slice %arg2[%sub3A_1071] : memref<4000000xi32, #tpu.memory_space<hbm>> -> memref<16392xi32, #tpu.memory_space<hbm>>
    %dma_wait3A_1099 = arith.constant 0 : i32
    %dma_wait3A_1100 = tpu.memref_slice %arg6[%dma_wait3A_1099] : memref<16400xi32, #tpu.memory_space<vmem>> -> memref<16392xi32, #tpu.memory_space<vmem>>
    %dma_wait3A_1101 = tpu.memref_slice %arg2[%sub3A_1071] : memref<4000000xi32, #tpu.memory_space<hbm>> -> memref<16392xi32, #tpu.memory_space<hbm>>
    tpu.wait_dma2 semaphore(%arg13 : memref<!tpu.dma_semaphore, #tpu.memory_space<semaphore_mem>>) src(%dma_wait3A_1101 : memref<16392xi32, #tpu.memory_space<hbm>>) dst(%dma_wait3A_1100 : memref<16392xi32, #tpu.memory_space<vmem>>)
    %dma_wait3A_1102 = tpu.memref_slice %arg4[%add3A_1039] : memref<4000000xf32, #tpu.memory_space<hbm>> -> memref<16384xf32, #tpu.memory_space<hbm>>
    %dma_wait3A_1103 = tpu.memref_slice %arg4[%add3A_1039] : memref<4000000xf32, #tpu.memory_space<hbm>> -> memref<16384xf32, #tpu.memory_space<hbm>>
    tpu.wait_dma2 semaphore(%arg15 : memref<!tpu.dma_semaphore, #tpu.memory_space<semaphore_mem>>) src(%arg8 : memref<16384xf32, #tpu.memory_space<vmem>>) dst(%dma_wait3A_1103 : memref<16384xf32, #tpu.memory_space<hbm>>)
    %scan3A_1104 = arith.constant 0 : i32
    %scan3A_1105 = arith.constant 512 : i32
    %scan3A_1106 = arith.addi %scan3A_1104, %scan3A_1105 : i32
    %scan3A_1107 = arith.constant 1 : i32
    %scan3A_1108 = scf.for %scan3A_1157 = %scan3A_1104 to %scan3A_1106 step %scan3A_1107 iter_args(%scan3A_1158 = %scan3A_1090) -> (vector<16xf32>)  : i32 {
      %mul3A_1159 = arith.constant 32 : i32
      %mul3A_1160 = arith.muli %scan3A_1157, %mul3A_1159 : i32
      %add3A_1161 = arith.constant 6 : i32
      %add3A_1162 = arith.addi %mul3A_1160, %add3A_1161 : i32
      %get3A_1163 = arith.index_cast %add3A_1162 : i32 to index
      %get3A_1164 = tpu.vector_load %arg6[%get3A_1163] {strides = array<i32>} : memref<16400xi32, #tpu.memory_space<vmem>>, vector<16xi32>,
      %add3A_1165 = arith.constant 7 : i32
      %add3A_1166 = arith.addi %mul3A_1160, %add3A_1165 : i32
      %get3A_1167 = arith.index_cast %add3A_1166 : i32 to index
      %get3A_1168 = tpu.vector_load %arg6[%get3A_1167] {strides = array<i32>} : memref<16400xi32, #tpu.memory_space<vmem>>, vector<16xi32>,
      %add3A_1169 = arith.constant 8 : i32
      %add3A_1170 = arith.addi %mul3A_1160, %add3A_1169 : i32
      %get3A_1171 = arith.index_cast %add3A_1170 : i32 to index
      %get3A_1172 = tpu.vector_load %arg6[%get3A_1171] {strides = array<i32>} : memref<16400xi32, #tpu.memory_space<vmem>>, vector<16xi32>,
      %mul3A_1173 = arith.constant 20 : i32
      %mul3A_1174 = vector.broadcast %mul3A_1173 : i32 to vector<16xi32>
      %mul3A_1175 = arith.muli %get3A_1164, %mul3A_1174 : vector<16xi32>
      %mul3A_1176 = arith.constant 4 : i32
      %mul3A_1177 = vector.broadcast %mul3A_1176 : i32 to vector<16xi32>
      %mul3A_1178 = arith.muli %get3A_1168, %mul3A_1177 : vector<16xi32>
      %add3A_1179 = arith.addi %mul3A_1175, %mul3A_1178 : vector<16xi32>
      %add3A_1180 = arith.addi %add3A_1179, %get3A_1172 : vector<16xi32>
      %gather3A = tpu.vector_load_idx %arg11[%add3A_1180] : memref<128xf32, #tpu.memory_space<vmem>>[vector<16xi32>], vector<16xf32>,
      %add3A_1181 = arith.constant 16 : i32
      %add3A_1182 = arith.addi %mul3A_1160, %add3A_1181 : i32
      %add3A_1183 = arith.constant 6 : i32
      %add3A_1184 = arith.addi %add3A_1182, %add3A_1183 : i32
      %get3A_1185 = arith.index_cast %add3A_1184 : i32 to index
      %get3A_1186 = tpu.vector_load %arg6[%get3A_1185] {strides = array<i32>} : memref<16400xi32, #tpu.memory_space<vmem>>, vector<16xi32>,
      %add3A_1187 = arith.constant 7 : i32
      %add3A_1188 = arith.addi %add3A_1182, %add3A_1187 : i32
      %get3A_1189 = arith.index_cast %add3A_1188 : i32 to index
      %get3A_1190 = tpu.vector_load %arg6[%get3A_1189] {strides = array<i32>} : memref<16400xi32, #tpu.memory_space<vmem>>, vector<16xi32>,
      %add3A_1191 = arith.constant 8 : i32
      %add3A_1192 = arith.addi %add3A_1182, %add3A_1191 : i32
      %get3A_1193 = arith.index_cast %add3A_1192 : i32 to index
      %get3A_1194 = tpu.vector_load %arg6[%get3A_1193] {strides = array<i32>} : memref<16400xi32, #tpu.memory_space<vmem>>, vector<16xi32>,
      %mul3A_1195 = arith.constant 20 : i32
      %mul3A_1196 = vector.broadcast %mul3A_1195 : i32 to vector<16xi32>
      %mul3A_1197 = arith.muli %get3A_1186, %mul3A_1196 : vector<16xi32>
      %mul3A_1198 = arith.constant 4 : i32
      %mul3A_1199 = vector.broadcast %mul3A_1198 : i32 to vector<16xi32>
      %mul3A_1200 = arith.muli %get3A_1190, %mul3A_1199 : vector<16xi32>
      %add3A_1201 = arith.addi %mul3A_1197, %mul3A_1200 : vector<16xi32>
      %add3A_1202 = arith.addi %add3A_1201, %get3A_1194 : vector<16xi32>
      %gather3A_1203 = tpu.vector_load_idx %arg11[%add3A_1202] : memref<128xf32, #tpu.memory_space<vmem>>[vector<16xi32>], vector<16xf32>,
      %swap3A_1204 = arith.index_cast %mul3A_1160 : i32 to index
      %swap3A_1205 = tpu.vector_load %arg8[%swap3A_1204] {strides = array<i32>} : memref<16384xf32, #tpu.memory_space<vmem>>, vector<16xf32>,
      tpu.vector_store %arg8[%swap3A_1204], %gather3A {strides = array<i32>} : memref<16384xf32, #tpu.memory_space<vmem>>, vector<16xf32>,
      %add3A_1206 = arith.constant 16 : i32
      %add3A_1207 = arith.addi %mul3A_1160, %add3A_1206 : i32
      %swap3A_1208 = arith.index_cast %add3A_1207 : i32 to index
      %swap3A_1209 = tpu.vector_load %arg8[%swap3A_1208] {strides = array<i32>} : memref<16384xf32, #tpu.memory_space<vmem>>, vector<16xf32>,
      tpu.vector_store %arg8[%swap3A_1208], %gather3A_1203 {strides = array<i32>} : memref<16384xf32, #tpu.memory_space<vmem>>, vector<16xf32>,
      %add3A_1210 = arith.addf %scan3A_1158, %gather3A : vector<16xf32>
      %add3A_1211 = arith.addf %add3A_1210, %gather3A_1203 : vector<16xf32>
      scf.yield %add3A_1211 : vector<16xf32>
    }
    %scan3A_1109 = arith.constant 512 : i32
    %dma_start3A_1110 = tpu.memref_slice %arg4[%add3A_1095] : memref<4000000xf32, #tpu.memory_space<hbm>> -> memref<16384xf32, #tpu.memory_space<hbm>>
    %dma_start3A_1111 = tpu.memref_slice %arg4[%add3A_1095] : memref<4000000xf32, #tpu.memory_space<hbm>> -> memref<16384xf32, #tpu.memory_space<hbm>>
    tpu.enqueue_dma source(%arg8 : memref<16384xf32, #tpu.memory_space<vmem>>) target(%dma_start3A_1111 : memref<16384xf32, #tpu.memory_space<hbm>>) target_semaphore(%arg15 : memref<!tpu.dma_semaphore, #tpu.memory_space<semaphore_mem>>)
    %add3A_1112 = arith.constant 114688 : i32
    %add3A_1113 = arith.addi %mul3A_8, %add3A_1112 : i32
    %lt3A = arith.constant 4 : i32
    %lt3A_1114 = arith.cmpi slt, %add3A, %lt3A : i32
    %convert_element_type3A_1115 = arith.extui %lt3A_1114 : i1 to i32
    %cond3A_1116 = arith.constant 0 : i32
    %cond3A_1117 = arith.cmpi ne, %convert_element_type3A_1115, %cond3A_1116 : i32
    scf.if %cond3A_1117 {
      %sub3A_1157 = arith.constant 8 : i32
      %sub3A_1158 = arith.subi %add3A_1113, %sub3A_1157 : i32
      "tpu.region"() ({
        %run_scoped3A = tpu.sem_alloc : memref<!tpu.dma_semaphore, #tpu.memory_space<semaphore_mem>>
        %dma_start3A_1159 = arith.constant 0 : i32
        %dma_start3A_1160 = tpu.memref_slice %arg7[%dma_start3A_1159] : memref<16400xi32, #tpu.memory_space<vmem>> -> memref<10376xi32, #tpu.memory_space<vmem>>
        %dma_start3A_1161 = tpu.memref_slice %arg2[%sub3A_1158] : memref<4000000xi32, #tpu.memory_space<hbm>> -> memref<10376xi32, #tpu.memory_space<hbm>>
        %dma_start3A_1162 = arith.constant 0 : i32
        %dma_start3A_1163 = tpu.memref_slice %arg7[%dma_start3A_1162] : memref<16400xi32, #tpu.memory_space<vmem>> -> memref<10376xi32, #tpu.memory_space<vmem>>
        %dma_start3A_1164 = tpu.memref_slice %arg2[%sub3A_1158] : memref<4000000xi32, #tpu.memory_space<hbm>> -> memref<10376xi32, #tpu.memory_space<hbm>>
        tpu.enqueue_dma source(%dma_start3A_1164 : memref<10376xi32, #tpu.memory_space<hbm>>) target(%dma_start3A_1163 : memref<10376xi32, #tpu.memory_space<vmem>>) target_semaphore(%run_scoped3A : memref<!tpu.dma_semaphore, #tpu.memory_space<semaphore_mem>>)
        %dma_wait3A_1165 = arith.constant 0 : i32
        %dma_wait3A_1166 = tpu.memref_slice %arg7[%dma_wait3A_1165] : memref<16400xi32, #tpu.memory_space<vmem>> -> memref<10376xi32, #tpu.memory_space<vmem>>
        %dma_wait3A_1167 = tpu.memref_slice %arg2[%sub3A_1158] : memref<4000000xi32, #tpu.memory_space<hbm>> -> memref<10376xi32, #tpu.memory_space<hbm>>
        %dma_wait3A_1168 = arith.constant 0 : i32
        %dma_wait3A_1169 = tpu.memref_slice %arg7[%dma_wait3A_1168] : memref<16400xi32, #tpu.memory_space<vmem>> -> memref<10376xi32, #tpu.memory_space<vmem>>
        %dma_wait3A_1170 = tpu.memref_slice %arg2[%sub3A_1158] : memref<4000000xi32, #tpu.memory_space<hbm>> -> memref<10376xi32, #tpu.memory_space<hbm>>
        tpu.wait_dma2 semaphore(%run_scoped3A : memref<!tpu.dma_semaphore, #tpu.memory_space<semaphore_mem>>) src(%dma_wait3A_1170 : memref<10376xi32, #tpu.memory_space<hbm>>) dst(%dma_wait3A_1169 : memref<10376xi32, #tpu.memory_space<vmem>>)
        tpu.yield
      }) : () -> ()
    } else {
    }
    %ge3A = arith.constant 4 : i32
    %ge3A_1118 = arith.cmpi sge, %add3A, %ge3A : i32
    %convert_element_type3A_1119 = arith.extui %ge3A_1118 : i1 to i32
    %cond3A_1120 = arith.constant 0 : i32
    %cond3A_1121 = arith.cmpi ne, %convert_element_type3A_1119, %cond3A_1120 : i32
    scf.if %cond3A_1121 {
      %sub3A_1157 = arith.constant 8 : i32
      %sub3A_1158 = arith.subi %add3A_1113, %sub3A_1157 : i32
      "tpu.region"() ({
        %run_scoped3A = tpu.sem_alloc : memref<!tpu.dma_semaphore, #tpu.memory_space<semaphore_mem>>
        %dma_start3A_1159 = arith.constant 0 : i32
        %dma_start3A_1160 = tpu.memref_slice %arg7[%dma_start3A_1159] : memref<16400xi32, #tpu.memory_space<vmem>> -> memref<10312xi32, #tpu.memory_space<vmem>>
        %dma_start3A_1161 = tpu.memref_slice %arg2[%sub3A_1158] : memref<4000000xi32, #tpu.memory_space<hbm>> -> memref<10312xi32, #tpu.memory_space<hbm>>
        %dma_start3A_1162 = arith.constant 0 : i32
        %dma_start3A_1163 = tpu.memref_slice %arg7[%dma_start3A_1162] : memref<16400xi32, #tpu.memory_space<vmem>> -> memref<10312xi32, #tpu.memory_space<vmem>>
        %dma_start3A_1164 = tpu.memref_slice %arg2[%sub3A_1158] : memref<4000000xi32, #tpu.memory_space<hbm>> -> memref<10312xi32, #tpu.memory_space<hbm>>
        tpu.enqueue_dma source(%dma_start3A_1164 : memref<10312xi32, #tpu.memory_space<hbm>>) target(%dma_start3A_1163 : memref<10312xi32, #tpu.memory_space<vmem>>) target_semaphore(%run_scoped3A : memref<!tpu.dma_semaphore, #tpu.memory_space<semaphore_mem>>)
        %dma_wait3A_1165 = arith.constant 0 : i32
        %dma_wait3A_1166 = tpu.memref_slice %arg7[%dma_wait3A_1165] : memref<16400xi32, #tpu.memory_space<vmem>> -> memref<10312xi32, #tpu.memory_space<vmem>>
        %dma_wait3A_1167 = tpu.memref_slice %arg2[%sub3A_1158] : memref<4000000xi32, #tpu.memory_space<hbm>> -> memref<10312xi32, #tpu.memory_space<hbm>>
        %dma_wait3A_1168 = arith.constant 0 : i32
        %dma_wait3A_1169 = tpu.memref_slice %arg7[%dma_wait3A_1168] : memref<16400xi32, #tpu.memory_space<vmem>> -> memref<10312xi32, #tpu.memory_space<vmem>>
        %dma_wait3A_1170 = tpu.memref_slice %arg2[%sub3A_1158] : memref<4000000xi32, #tpu.memory_space<hbm>> -> memref<10312xi32, #tpu.memory_space<hbm>>
        tpu.wait_dma2 semaphore(%run_scoped3A : memref<!tpu.dma_semaphore, #tpu.memory_space<semaphore_mem>>) src(%dma_wait3A_1170 : memref<10312xi32, #tpu.memory_space<hbm>>) dst(%dma_wait3A_1169 : memref<10312xi32, #tpu.memory_space<vmem>>)
        tpu.yield
      }) : () -> ()
    } else {
    }
    %dma_wait3A_1122 = tpu.memref_slice %arg4[%add3A_1067] : memref<4000000xf32, #tpu.memory_space<hbm>> -> memref<16384xf32, #tpu.memory_space<hbm>>
    %dma_wait3A_1123 = tpu.memref_slice %arg4[%add3A_1067] : memref<4000000xf32, #tpu.memory_space<hbm>> -> memref<16384xf32, #tpu.memory_space<hbm>>
    tpu.wait_dma2 semaphore(%arg16 : memref<!tpu.dma_semaphore, #tpu.memory_space<semaphore_mem>>) src(%arg9 : memref<16384xf32, #tpu.memory_space<vmem>>) dst(%dma_wait3A_1123 : memref<16384xf32, #tpu.memory_space<hbm>>)
    %lt3A_1124 = arith.constant 4 : i32
    %lt3A_1125 = arith.cmpi slt, %add3A, %lt3A_1124 : i32
    %convert_element_type3A_1126 = arith.extui %lt3A_1125 : i1 to i32
    %mul3A_1127 = arith.constant 2 : i32
    %mul3A_1128 = arith.muli %mul3A_1127, %convert_element_type3A_1126 : i32
    %add3A_1129 = arith.constant 322 : i32
    %add3A_1130 = arith.addi %add3A_1129, %mul3A_1128 : i32
    %while3A = arith.constant 0 : i32
    %while3A_1131 = arith.subi %add3A_1130, %while3A : i32
    %while3A_1132 = arith.addi %while3A, %while3A_1131 : i32
    %while3A_1133 = arith.constant 1 : i32
    %while3A_1134 = arith.divsi %while3A_1131, %while3A_1133 : i32
    %while3A_1135 = arith.muli %while3A_1134, %while3A_1133 : i32
    %while3A_1136 = arith.addi %while3A, %while3A_1135 : i32
    %while3A_1137 = arith.constant 1 : i32
    %while3A_1138 = scf.for %while3A_1157 = %while3A to %while3A_1136 step %while3A_1137 iter_args(%while3A_1158 = %scan3A_1108) -> (vector<16xf32>)  : i32 {
      %mul3A_1159 = arith.constant 32 : i32
      %mul3A_1160 = arith.muli %while3A_1157, %mul3A_1159 : i32
      %add3A_1161 = arith.constant 6 : i32
      %add3A_1162 = arith.addi %mul3A_1160, %add3A_1161 : i32
      %get3A_1163 = arith.index_cast %add3A_1162 : i32 to index
      %get3A_1164 = tpu.vector_load %arg7[%get3A_1163] {strides = array<i32>} : memref<16400xi32, #tpu.memory_space<vmem>>, vector<16xi32>,
      %add3A_1165 = arith.constant 7 : i32
      %add3A_1166 = arith.addi %mul3A_1160, %add3A_1165 : i32
      %get3A_1167 = arith.index_cast %add3A_1166 : i32 to index
      %get3A_1168 = tpu.vector_load %arg7[%get3A_1167] {strides = array<i32>} : memref<16400xi32, #tpu.memory_space<vmem>>, vector<16xi32>,
      %add3A_1169 = arith.constant 8 : i32
      %add3A_1170 = arith.addi %mul3A_1160, %add3A_1169 : i32
      %get3A_1171 = arith.index_cast %add3A_1170 : i32 to index
      %get3A_1172 = tpu.vector_load %arg7[%get3A_1171] {strides = array<i32>} : memref<16400xi32, #tpu.memory_space<vmem>>, vector<16xi32>,
      %mul3A_1173 = arith.constant 20 : i32
      %mul3A_1174 = vector.broadcast %mul3A_1173 : i32 to vector<16xi32>
      %mul3A_1175 = arith.muli %get3A_1164, %mul3A_1174 : vector<16xi32>
      %mul3A_1176 = arith.constant 4 : i32
      %mul3A_1177 = vector.broadcast %mul3A_1176 : i32 to vector<16xi32>
      %mul3A_1178 = arith.muli %get3A_1168, %mul3A_1177 : vector<16xi32>
      %add3A_1179 = arith.addi %mul3A_1175, %mul3A_1178 : vector<16xi32>
      %add3A_1180 = arith.addi %add3A_1179, %get3A_1172 : vector<16xi32>
      %gather3A = tpu.vector_load_idx %arg11[%add3A_1180] : memref<128xf32, #tpu.memory_space<vmem>>[vector<16xi32>], vector<16xf32>,
      %add3A_1181 = arith.constant 16 : i32
      %add3A_1182 = arith.addi %mul3A_1160, %add3A_1181 : i32
      %add3A_1183 = arith.constant 6 : i32
      %add3A_1184 = arith.addi %add3A_1182, %add3A_1183 : i32
      %get3A_1185 = arith.index_cast %add3A_1184 : i32 to index
      %get3A_1186 = tpu.vector_load %arg7[%get3A_1185] {strides = array<i32>} : memref<16400xi32, #tpu.memory_space<vmem>>, vector<16xi32>,
      %add3A_1187 = arith.constant 7 : i32
      %add3A_1188 = arith.addi %add3A_1182, %add3A_1187 : i32
      %get3A_1189 = arith.index_cast %add3A_1188 : i32 to index
      %get3A_1190 = tpu.vector_load %arg7[%get3A_1189] {strides = array<i32>} : memref<16400xi32, #tpu.memory_space<vmem>>, vector<16xi32>,
      %add3A_1191 = arith.constant 8 : i32
      %add3A_1192 = arith.addi %add3A_1182, %add3A_1191 : i32
      %get3A_1193 = arith.index_cast %add3A_1192 : i32 to index
      %get3A_1194 = tpu.vector_load %arg7[%get3A_1193] {strides = array<i32>} : memref<16400xi32, #tpu.memory_space<vmem>>, vector<16xi32>,
      %mul3A_1195 = arith.constant 20 : i32
      %mul3A_1196 = vector.broadcast %mul3A_1195 : i32 to vector<16xi32>
      %mul3A_1197 = arith.muli %get3A_1186, %mul3A_1196 : vector<16xi32>
      %mul3A_1198 = arith.constant 4 : i32
      %mul3A_1199 = vector.broadcast %mul3A_1198 : i32 to vector<16xi32>
      %mul3A_1200 = arith.muli %get3A_1190, %mul3A_1199 : vector<16xi32>
      %add3A_1201 = arith.addi %mul3A_1197, %mul3A_1200 : vector<16xi32>
      %add3A_1202 = arith.addi %add3A_1201, %get3A_1194 : vector<16xi32>
      %gather3A_1203 = tpu.vector_load_idx %arg11[%add3A_1202] : memref<128xf32, #tpu.memory_space<vmem>>[vector<16xi32>], vector<16xf32>,
      %swap3A_1204 = arith.index_cast %mul3A_1160 : i32 to index
      %swap3A_1205 = tpu.vector_load %arg9[%swap3A_1204] {strides = array<i32>} : memref<16384xf32, #tpu.memory_space<vmem>>, vector<16xf32>,
      tpu.vector_store %arg9[%swap3A_1204], %gather3A {strides = array<i32>} : memref<16384xf32, #tpu.memory_space<vmem>>, vector<16xf32>,
      %add3A_1206 = arith.constant 16 : i32
      %add3A_1207 = arith.addi %mul3A_1160, %add3A_1206 : i32
      %swap3A_1208 = arith.index_cast %add3A_1207 : i32 to index
      %swap3A_1209 = tpu.vector_load %arg9[%swap3A_1208] {strides = array<i32>} : memref<16384xf32, #tpu.memory_space<vmem>>, vector<16xf32>,
      tpu.vector_store %arg9[%swap3A_1208], %gather3A_1203 {strides = array<i32>} : memref<16384xf32, #tpu.memory_space<vmem>>, vector<16xf32>,
      %add3A_1210 = arith.addf %while3A_1158, %gather3A : vector<16xf32>
      %add3A_1211 = arith.addf %add3A_1210, %gather3A_1203 : vector<16xf32>
      scf.yield %add3A_1211 : vector<16xf32>
    }
    %while3A_1139 = arith.constant 1 : i32
    %while3A_1140 = scf.for %while3A_1157 = %while3A_1136 to %while3A_1132 step %while3A_1139 iter_args(%while3A_1158 = %while3A_1138) -> (vector<16xf32>)  : i32 {
      %mul3A_1159 = arith.constant 32 : i32
      %mul3A_1160 = arith.muli %while3A_1157, %mul3A_1159 : i32
      %add3A_1161 = arith.constant 6 : i32
      %add3A_1162 = arith.addi %mul3A_1160, %add3A_1161 : i32
      %get3A_1163 = arith.index_cast %add3A_1162 : i32 to index
      %get3A_1164 = tpu.vector_load %arg7[%get3A_1163] {strides = array<i32>} : memref<16400xi32, #tpu.memory_space<vmem>>, vector<16xi32>,
      %add3A_1165 = arith.constant 7 : i32
      %add3A_1166 = arith.addi %mul3A_1160, %add3A_1165 : i32
      %get3A_1167 = arith.index_cast %add3A_1166 : i32 to index
      %get3A_1168 = tpu.vector_load %arg7[%get3A_1167] {strides = array<i32>} : memref<16400xi32, #tpu.memory_space<vmem>>, vector<16xi32>,
      %add3A_1169 = arith.constant 8 : i32
      %add3A_1170 = arith.addi %mul3A_1160, %add3A_1169 : i32
      %get3A_1171 = arith.index_cast %add3A_1170 : i32 to index
      %get3A_1172 = tpu.vector_load %arg7[%get3A_1171] {strides = array<i32>} : memref<16400xi32, #tpu.memory_space<vmem>>, vector<16xi32>,
      %mul3A_1173 = arith.constant 20 : i32
      %mul3A_1174 = vector.broadcast %mul3A_1173 : i32 to vector<16xi32>
      %mul3A_1175 = arith.muli %get3A_1164, %mul3A_1174 : vector<16xi32>
      %mul3A_1176 = arith.constant 4 : i32
      %mul3A_1177 = vector.broadcast %mul3A_1176 : i32 to vector<16xi32>
      %mul3A_1178 = arith.muli %get3A_1168, %mul3A_1177 : vector<16xi32>
      %add3A_1179 = arith.addi %mul3A_1175, %mul3A_1178 : vector<16xi32>
      %add3A_1180 = arith.addi %add3A_1179, %get3A_1172 : vector<16xi32>
      %gather3A = tpu.vector_load_idx %arg11[%add3A_1180] : memref<128xf32, #tpu.memory_space<vmem>>[vector<16xi32>], vector<16xf32>,
      %add3A_1181 = arith.constant 16 : i32
      %add3A_1182 = arith.addi %mul3A_1160, %add3A_1181 : i32
      %add3A_1183 = arith.constant 6 : i32
      %add3A_1184 = arith.addi %add3A_1182, %add3A_1183 : i32
      %get3A_1185 = arith.index_cast %add3A_1184 : i32 to index
      %get3A_1186 = tpu.vector_load %arg7[%get3A_1185] {strides = array<i32>} : memref<16400xi32, #tpu.memory_space<vmem>>, vector<16xi32>,
      %add3A_1187 = arith.constant 7 : i32
      %add3A_1188 = arith.addi %add3A_1182, %add3A_1187 : i32
      %get3A_1189 = arith.index_cast %add3A_1188 : i32 to index
      %get3A_1190 = tpu.vector_load %arg7[%get3A_1189] {strides = array<i32>} : memref<16400xi32, #tpu.memory_space<vmem>>, vector<16xi32>,
      %add3A_1191 = arith.constant 8 : i32
      %add3A_1192 = arith.addi %add3A_1182, %add3A_1191 : i32
      %get3A_1193 = arith.index_cast %add3A_1192 : i32 to index
      %get3A_1194 = tpu.vector_load %arg7[%get3A_1193] {strides = array<i32>} : memref<16400xi32, #tpu.memory_space<vmem>>, vector<16xi32>,
      %mul3A_1195 = arith.constant 20 : i32
      %mul3A_1196 = vector.broadcast %mul3A_1195 : i32 to vector<16xi32>
      %mul3A_1197 = arith.muli %get3A_1186, %mul3A_1196 : vector<16xi32>
      %mul3A_1198 = arith.constant 4 : i32
      %mul3A_1199 = vector.broadcast %mul3A_1198 : i32 to vector<16xi32>
      %mul3A_1200 = arith.muli %get3A_1190, %mul3A_1199 : vector<16xi32>
      %add3A_1201 = arith.addi %mul3A_1197, %mul3A_1200 : vector<16xi32>
      %add3A_1202 = arith.addi %add3A_1201, %get3A_1194 : vector<16xi32>
      %gather3A_1203 = tpu.vector_load_idx %arg11[%add3A_1202] : memref<128xf32, #tpu.memory_space<vmem>>[vector<16xi32>], vector<16xf32>,
      %swap3A_1204 = arith.index_cast %mul3A_1160 : i32 to index
      %swap3A_1205 = tpu.vector_load %arg9[%swap3A_1204] {strides = array<i32>} : memref<16384xf32, #tpu.memory_space<vmem>>, vector<16xf32>,
      tpu.vector_store %arg9[%swap3A_1204], %gather3A {strides = array<i32>} : memref<16384xf32, #tpu.memory_space<vmem>>, vector<16xf32>,
      %add3A_1206 = arith.constant 16 : i32
      %add3A_1207 = arith.addi %mul3A_1160, %add3A_1206 : i32
      %swap3A_1208 = arith.index_cast %add3A_1207 : i32 to index
      %swap3A_1209 = tpu.vector_load %arg9[%swap3A_1208] {strides = array<i32>} : memref<16384xf32, #tpu.memory_space<vmem>>, vector<16xf32>,
      tpu.vector_store %arg9[%swap3A_1208], %gather3A_1203 {strides = array<i32>} : memref<16384xf32, #tpu.memory_space<vmem>>, vector<16xf32>,
      %add3A_1210 = arith.addf %while3A_1158, %gather3A : vector<16xf32>
      %add3A_1211 = arith.addf %add3A_1210, %gather3A_1203 : vector<16xf32>
      scf.yield %add3A_1211 : vector<16xf32>
    }
    %lt3A_1141 = arith.constant 4 : i32
    %lt3A_1142 = arith.cmpi slt, %add3A, %lt3A_1141 : i32
    %convert_element_type3A_1143 = arith.extui %lt3A_1142 : i1 to i32
    %cond3A_1144 = arith.constant 0 : i32
    %cond3A_1145 = arith.cmpi ne, %convert_element_type3A_1143, %cond3A_1144 : i32
    scf.if %cond3A_1145 {
      "tpu.region"() ({
        %run_scoped3A = tpu.sem_alloc : memref<!tpu.dma_semaphore, #tpu.memory_space<semaphore_mem>>
        %dma_start3A_1157 = arith.constant 0 : i32
        %dma_start3A_1158 = tpu.memref_slice %arg9[%dma_start3A_1157] : memref<16384xf32, #tpu.memory_space<vmem>> -> memref<10368xf32, #tpu.memory_space<vmem>>
        %dma_start3A_1159 = tpu.memref_slice %arg4[%add3A_1113] : memref<4000000xf32, #tpu.memory_space<hbm>> -> memref<10368xf32, #tpu.memory_space<hbm>>
        %dma_start3A_1160 = tpu.memref_slice %arg4[%add3A_1113] : memref<4000000xf32, #tpu.memory_space<hbm>> -> memref<10368xf32, #tpu.memory_space<hbm>>
        %dma_start3A_1161 = arith.constant 0 : i32
        %dma_start3A_1162 = tpu.memref_slice %arg9[%dma_start3A_1161] : memref<16384xf32, #tpu.memory_space<vmem>> -> memref<10368xf32, #tpu.memory_space<vmem>>
        tpu.enqueue_dma source(%dma_start3A_1162 : memref<10368xf32, #tpu.memory_space<vmem>>) target(%dma_start3A_1160 : memref<10368xf32, #tpu.memory_space<hbm>>) target_semaphore(%run_scoped3A : memref<!tpu.dma_semaphore, #tpu.memory_space<semaphore_mem>>)
        %dma_wait3A_1163 = arith.constant 0 : i32
        %dma_wait3A_1164 = tpu.memref_slice %arg9[%dma_wait3A_1163] : memref<16384xf32, #tpu.memory_space<vmem>> -> memref<10368xf32, #tpu.memory_space<vmem>>
        %dma_wait3A_1165 = tpu.memref_slice %arg4[%add3A_1113] : memref<4000000xf32, #tpu.memory_space<hbm>> -> memref<10368xf32, #tpu.memory_space<hbm>>
        %dma_wait3A_1166 = tpu.memref_slice %arg4[%add3A_1113] : memref<4000000xf32, #tpu.memory_space<hbm>> -> memref<10368xf32, #tpu.memory_space<hbm>>
        %dma_wait3A_1167 = arith.constant 0 : i32
        %dma_wait3A_1168 = tpu.memref_slice %arg9[%dma_wait3A_1167] : memref<16384xf32, #tpu.memory_space<vmem>> -> memref<10368xf32, #tpu.memory_space<vmem>>
        tpu.wait_dma2 semaphore(%run_scoped3A : memref<!tpu.dma_semaphore, #tpu.memory_space<semaphore_mem>>) src(%dma_wait3A_1168 : memref<10368xf32, #tpu.memory_space<vmem>>) dst(%dma_wait3A_1166 : memref<10368xf32, #tpu.memory_space<hbm>>)
        tpu.yield
      }) : () -> ()
    } else {
    }
    %ge3A_1146 = arith.constant 4 : i32
    %ge3A_1147 = arith.cmpi sge, %add3A, %ge3A_1146 : i32
    %convert_element_type3A_1148 = arith.extui %ge3A_1147 : i1 to i32
    %cond3A_1149 = arith.constant 0 : i32
    %cond3A_1150 = arith.cmpi ne, %convert_element_type3A_1148, %cond3A_1149 : i32
    scf.if %cond3A_1150 {
      "tpu.region"() ({
        %run_scoped3A = tpu.sem_alloc : memref<!tpu.dma_semaphore, #tpu.memory_space<semaphore_mem>>
        %dma_start3A_1157 = arith.constant 0 : i32
        %dma_start3A_1158 = tpu.memref_slice %arg9[%dma_start3A_1157] : memref<16384xf32, #tpu.memory_space<vmem>> -> memref<10304xf32, #tpu.memory_space<vmem>>
        %dma_start3A_1159 = tpu.memref_slice %arg4[%add3A_1113] : memref<4000000xf32, #tpu.memory_space<hbm>> -> memref<10304xf32, #tpu.memory_space<hbm>>
        %dma_start3A_1160 = tpu.memref_slice %arg4[%add3A_1113] : memref<4000000xf32, #tpu.memory_space<hbm>> -> memref<10304xf32, #tpu.memory_space<hbm>>
        %dma_start3A_1161 = arith.constant 0 : i32
        %dma_start3A_1162 = tpu.memref_slice %arg9[%dma_start3A_1161] : memref<16384xf32, #tpu.memory_space<vmem>> -> memref<10304xf32, #tpu.memory_space<vmem>>
        tpu.enqueue_dma source(%dma_start3A_1162 : memref<10304xf32, #tpu.memory_space<vmem>>) target(%dma_start3A_1160 : memref<10304xf32, #tpu.memory_space<hbm>>) target_semaphore(%run_scoped3A : memref<!tpu.dma_semaphore, #tpu.memory_space<semaphore_mem>>)
        %dma_wait3A_1163 = arith.constant 0 : i32
        %dma_wait3A_1164 = tpu.memref_slice %arg9[%dma_wait3A_1163] : memref<16384xf32, #tpu.memory_space<vmem>> -> memref<10304xf32, #tpu.memory_space<vmem>>
        %dma_wait3A_1165 = tpu.memref_slice %arg4[%add3A_1113] : memref<4000000xf32, #tpu.memory_space<hbm>> -> memref<10304xf32, #tpu.memory_space<hbm>>
        %dma_wait3A_1166 = tpu.memref_slice %arg4[%add3A_1113] : memref<4000000xf32, #tpu.memory_space<hbm>> -> memref<10304xf32, #tpu.memory_space<hbm>>
        %dma_wait3A_1167 = arith.constant 0 : i32
        %dma_wait3A_1168 = tpu.memref_slice %arg9[%dma_wait3A_1167] : memref<16384xf32, #tpu.memory_space<vmem>> -> memref<10304xf32, #tpu.memory_space<vmem>>
        tpu.wait_dma2 semaphore(%run_scoped3A : memref<!tpu.dma_semaphore, #tpu.memory_space<semaphore_mem>>) src(%dma_wait3A_1168 : memref<10304xf32, #tpu.memory_space<vmem>>) dst(%dma_wait3A_1166 : memref<10304xf32, #tpu.memory_space<hbm>>)
        tpu.yield
      }) : () -> ()
    } else {
    }
    %swap3A_1151 = arith.constant 0 : index
    %swap3A_1152 = tpu.vector_load %arg12[%swap3A_1151] {strides = array<i32>} : memref<16xf32, #tpu.memory_space<vmem>>, vector<16xf32>,
    tpu.vector_store %arg12[%swap3A_1151], %while3A_1140 {strides = array<i32>} : memref<16xf32, #tpu.memory_space<vmem>>, vector<16xf32>,
    %mul3A_1153 = arith.constant 16 : i32
    %mul3A_1154 = arith.muli %add3A, %mul3A_1153 : i32
    "tpu.region"() ({
      %run_scoped3A = tpu.sem_alloc : memref<!tpu.dma_semaphore, #tpu.memory_space<semaphore_mem>>
      %dma_start3A_1157 = tpu.memref_slice %arg5[%mul3A_1154] : memref<512xf32, #tpu.memory_space<hbm>> -> memref<16xf32, #tpu.memory_space<hbm>>
      %dma_start3A_1158 = tpu.memref_slice %arg5[%mul3A_1154] : memref<512xf32, #tpu.memory_space<hbm>> -> memref<16xf32, #tpu.memory_space<hbm>>
      tpu.enqueue_dma source(%arg12 : memref<16xf32, #tpu.memory_space<vmem>>) target(%dma_start3A_1158 : memref<16xf32, #tpu.memory_space<hbm>>) target_semaphore(%run_scoped3A : memref<!tpu.dma_semaphore, #tpu.memory_space<semaphore_mem>>)
      %dma_wait3A_1159 = tpu.memref_slice %arg5[%mul3A_1154] : memref<512xf32, #tpu.memory_space<hbm>> -> memref<16xf32, #tpu.memory_space<hbm>>
      %dma_wait3A_1160 = tpu.memref_slice %arg5[%mul3A_1154] : memref<512xf32, #tpu.memory_space<hbm>> -> memref<16xf32, #tpu.memory_space<hbm>>
      tpu.wait_dma2 semaphore(%run_scoped3A : memref<!tpu.dma_semaphore, #tpu.memory_space<semaphore_mem>>) src(%arg12 : memref<16xf32, #tpu.memory_space<vmem>>) dst(%dma_wait3A_1160 : memref<16xf32, #tpu.memory_space<hbm>>)
      tpu.yield
    }) : () -> ()
    %dma_wait3A_1155 = tpu.memref_slice %arg4[%add3A_1095] : memref<4000000xf32, #tpu.memory_space<hbm>> -> memref<16384xf32, #tpu.memory_space<hbm>>
    %dma_wait3A_1156 = tpu.memref_slice %arg4[%add3A_1095] : memref<4000000xf32, #tpu.memory_space<hbm>> -> memref<16384xf32, #tpu.memory_space<hbm>>
    tpu.wait_dma2 semaphore(%arg15 : memref<!tpu.dma_semaphore, #tpu.memory_space<semaphore_mem>>) src(%arg8 : memref<16384xf32, #tpu.memory_space<vmem>>) dst(%dma_wait3A_1156 : memref<16384xf32, #tpu.memory_space<hbm>>)
    return
  }
}

module attributes {stable_mosaic.version = 14 : i64} {
  func.func @_scale_body(%arg0: i32, %arg1: memref<4x128xf32, #tpu.memory_space<vmem>>, %arg2: memref<524288xf32, #tpu.memory_space<vmem>>, %arg3: memref<524288xf32, #tpu.memory_space<vmem>>) attributes {dimension_semantics = [#tpu.dimension_semantics<arbitrary>], iteration_bounds = array<i64: 8>, scalar_prefetch = 0 : i64, scratch_operands = 0 : i64, tpu.core_type = #tpu.core_type<tc>, window_params = [{pipeline_mode = #tpu.pipeline_mode<synchronous>, transform_indices = @transform_0, window_bounds = array<i64: 4, 128>}, {transform_indices = @transform_1, window_bounds = array<i64: 524288>}, {transform_indices = @transform_2, window_bounds = array<i64: 524288>}]} {
    %get3A = arith.constant 0 : index
    %get3A_0 = arith.constant 0 : index
    %get3A_1 = vector.load %arg1[%get3A, %get3A_0] : memref<4x128xf32, #tpu.memory_space<vmem>>, vector<4x128xf32>
    %reduce_sum3A = vector.shape_cast %get3A_1 : vector<4x128xf32> to vector<1x4x128xf32>
    %reduce_sum3A_2 = arith.constant dense<0.000000e+00> : vector<1xf32>
    %reduce_sum3A_3 = vector.multi_reduction <add>, %reduce_sum3A, %reduce_sum3A_2 [1, 2] : vector<1x4x128xf32> to vector<1xf32>
    %reduce_sum3A_4 = vector.shape_cast %reduce_sum3A_3 : vector<1xf32> to vector<1x1x1xf32>
    %reduce_sum3A_5 = vector.extract %reduce_sum3A_4[0, 0, 0] : f32 from vector<1x1x1xf32>
    %div3A = arith.constant 1.000000e+00 : f32
    %div3A_6 = arith.divf %div3A, %reduce_sum3A_5 : f32
    %get3A_7 = arith.constant 0 : index
    %get3A_8 = vector.load %arg2[%get3A_7] : memref<524288xf32, #tpu.memory_space<vmem>>, vector<524288xf32>
    %mul3A = vector.broadcast %div3A_6 : f32 to vector<524288xf32>
    %mul3A_9 = arith.mulf %get3A_8, %mul3A : vector<524288xf32>
    %swap3A = arith.constant 0 : index
    %swap3A_10 = vector.load %arg3[%swap3A] : memref<524288xf32, #tpu.memory_space<vmem>>, vector<524288xf32>
    tpu.vector_store %arg3[%swap3A], %mul3A_9 {strides = array<i32>} : memref<524288xf32, #tpu.memory_space<vmem>>, vector<524288xf32>,
    return
  }
  func.func @transform_0(%arg0: i32) -> (i32, i32) {
    %c0_i32 = arith.constant 0 : i32
    %c0_i32_0 = arith.constant 0 : i32
    %c0_i32_1 = arith.constant 0 : i32
    return %c0_i32, %c0_i32_0 : i32, i32
  }
  func.func @transform_1(%arg0: i32) -> i32 {
    %c0_i32 = arith.constant 0 : i32
    return %arg0 : i32
  }
  func.func @transform_2(%arg0: i32) -> i32 {
    %c0_i32 = arith.constant 0 : i32
    return %arg0 : i32
  }
}

</mosaic_0001>

<sc_bundles>
// kernel: kernel.4.cloned.1.call-start
scs
__scs_entry_jumppad:
0x0: {  	(pc) =	sbr.rel $0x88, $3  }
0x1: {  	(tag) =	ssettag $0x0;
	lr =	simm.s32 $0x1  }
0x2: {  	[smem:$0x3F9F] =	sst lr;
	_ =	strace $0xD0000000  }
0x3: {  	_ = 	snop  }
0x4: {  	_ = 	snop  }
0x5: {  	_ = 	snop  }
0x6: {  	_ = 	snop  }
0x7: {  	_ = 	snop  }
__scs_overlays_trampoline_lowered:
0x8: {  	[smem:$0x3FAE] =	sst s0  }
0x9: {  	[smem:$0x3FAF] =	sst s1  }
0xa: {  	[smem:$0x3FB0] =	sst s2  }
0xb: {  	[smem:$0x3FB1] =	sst s3  }
0xc: {  	[smem:$0x3FB2] =	sst s4  }
0xd: {  	[smem:$0x3FB3] =	sst s5  }
0xe: {  	[smem:$0x3FB4] =	sst s6  }
0xf: {  	[smem:$0x3FB5] =	sst s7  }
0x10: {  	[smem:$0x3FB6] =	sst s8  }
0x11: {  	[smem:$0x3FB7] =	sst s9;
	s0 =	simm.s32 @!p0 $0x0  }
0x12: {  	s1 =	sld [smem:$0x3F9D];
	s0 =	simm.s32 @p0 $0x1  }
0x13: {  	[smem:$0x3FB8] =	sst s0;
	s0 =	simm.s32 @!p1 $0x0  }
0x14: {  	s2 =	sld [smem:$0x3F9C];
	s0 =	simm.s32 @p1 $0x1  }
0x15: {  	[smem:$0x3FB9] =	sst s0;
	s0 =	simm.s32 @!p2 $0x0  }
0x16: {  	s3 =	sld [smem:$0x3FDB];
	s0 =	simm.s32 @p2 $0x1  }
0x17: {  	s4 =	simm.s32 $0x1BF5;
	[smem:$0x3FBB] =	sst s0  }
0x18: {  	s0 =	sld [smem:$0x3F9E];
	_ =	swait.ge [sflag:s4], $0x0  }
0x19: {  	s7 =	sld [smem:$0x3F9F]  }
0x1a: {  	s8 =	sadd.s32 $0xFFFFE003, lr  }
0x1b: {  	s9 =	sadd.s32 $0xFFFFFEF7, lr;
	s5 =	simm.s32 $0xFFFFFFFF;
	p2 =	slt.u32 s8, $0xFFFFF086  }
0x1c: {  	p1 =	slt.u32 s9, $0xF7A;
	s5 =	simm.s32 @!p2 $0x0  }
0x1d: {  	s5 =	simm.s32 @p1 $0x1;
	p0 =	seq.s32 s7, s2  }
0x1e: {  	s7 =	smul.u32 @!p0 $0xF7A, s2;
	p2 =	seq.s32 @!p0 s5, $0x0  }
0x1f: {  	s9 =	smul.u32 $0xF7A, s1;
	s8 =	simm.s32 @!p0 $0x1BF5;
	p2 =	por !p2, p0  }
0x20: {  	[sflag:s8] =	ssyncset.s32 @!p0 $0xFFFFF086;
	s6 =	sadd.s32 @!p0 s3, s7;
	s7 =	simm.s32 @!p0 $0x108  }
0x21: {  	s3 =	sadd.s32 s3, s9;
	s6 =	sadd.s32 @!p0 $0x88, s6;
	s7 =	simm.s32 @p2 $0x1082  }
0x22: {  	[simem:s7], [sflag:s8] =	dma.local @!p0 [hbm:s6], $0xF7A  }
0x23: {  	s9 =	sor.u32 $0xD0000000, s2;
	s6 =	simm.s32 $0x108;
	_ =	swait.ge @!p0 [sflag:s8], $0x0  }
0x24: {  	s3 =	sadd.s32 $0x88, s3;
	s6 =	simm.s32 @!p1 $0x1082;
	[sflag:s4] =	ssyncset.s32 $0xFFFFF086  }
0x25: {  	[simem:s6], [sflag:s4] =	dma.local [hbm:s3], $0xF7A  }
0x26: {  	[smem:$0x3F9F] =	sst s1;
	(tag) =	ssettag s2;
	_ =	strace s9  }
0x27: {  	s1 =	sld [smem:$0x3FAF]  }
0x28: {  	s2 =	sld [smem:$0x3FB0]  }
0x29: {  	s4 =	sld [smem:$0x3FB2]  }
0x2a: {  	p0 =	seq.s32 s5, $0x0;
	s5 =	sld [smem:$0x3FB3]  }
0x2b: {  	s6 =	sld [smem:$0x3FB4]  }
0x2c: {  	s7 =	sld [smem:$0x3FB5]  }
0x2d: {  	s3 =	simm.s32 $0x108;
	s8 =	sld [smem:$0x3FB6]  }
0x2e: {  	s3 =	simm.s32 @!p0 $0x1082;
	s9 =	sld [smem:$0x3FB7]  }
0x2f: {  	lr =	sadd.s32 s0, s3;
	s0 =	sld [smem:$0x3FAE]  }
0x30: {  	s3 =	sld [smem:$0x3FB1]  }
0x31: {  	[smem:$0x3FBA] =	sst s10  }
0x32: {  	s10 =	sld [smem:$0x3FB8];
	_ =	sdelay $0x3  }
0x33: {  	p0 =	seq.s32 s10, $0x1;
	s10 =	sld [smem:$0x3FBA];
	_ =	sdelay $0x3  }
0x34: {  	[smem:$0x3FBA] =	sst s10  }
0x35: {  	s10 =	sld [smem:$0x3FB9];
	_ =	sdelay $0x3  }
0x36: {  	p1 =	seq.s32 s10, $0x1;
	s10 =	sld [smem:$0x3FBA];
	_ =	sdelay $0x3  }
0x37: {  	[smem:$0x3FBA] =	sst s10  }
0x38: {  	s10 =	sld [smem:$0x3FBB]  }
0x39: {  	_ = 	snop;
	(pc) =	sbr.ind lr, $3  }
0x3a: {  	_ = 	snop  }
0x3b: {  	_ = 	snop  }
0x3c: {  	p2 =	seq.s32 s10, $0x1;
	s10 =	sld [smem:$0x3FBA]  }
0x3d: {  	_ =	shalt  }
0x3e: {  	_ =	shalt  }
0x3f: {  	_ =	shalt  }
0x40: {  	_ =	shalt  }
0x41: {  	_ =	shalt  }
0x42: {  	_ =	shalt  }
0x43: {  	_ =	shalt  }
0x44: {  	_ =	shalt  }
0x45: {  	_ =	shalt  }
0x46: {  	_ =	shalt  }
0x47: {  	_ =	shalt  }
0x48: {  	_ =	shalt  }
0x49: {  	_ =	shalt  }
0x4a: {  	_ =	shalt  }
0x4b: {  	_ =	shalt  }
0x4c: {  	_ =	shalt  }
0x4d: {  	_ =	shalt  }
0x4e: {  	_ =	shalt  }
0x4f: {  	_ =	shalt  }
0x50: {  	_ =	shalt  }
0x51: {  	_ =	shalt  }
0x52: {  	_ =	shalt  }
0x53: {  	_ =	shalt  }
0x54: {  	_ =	shalt  }
0x55: {  	_ =	shalt  }
0x56: {  	_ =	shalt  }
0x57: {  	_ =	shalt  }
0x58: {  	_ =	shalt  }
0x59: {  	_ =	shalt  }
0x5a: {  	_ =	shalt  }
0x5b: {  	_ =	shalt  }
0x5c: {  	_ =	shalt  }
0x5d: {  	_ =	shalt  }
0x5e: {  	_ =	shalt  }
0x5f: {  	_ =	shalt  }
0x60: {  	_ =	shalt  }
0x61: {  	_ =	shalt  }
0x62: {  	_ =	shalt  }
0x63: {  	_ =	shalt  }
0x64: {  	_ =	shalt  }
0x65: {  	_ =	shalt  }
0x66: {  	_ =	shalt  }
0x67: {  	_ =	shalt  }
0x68: {  	_ =	shalt  }
0x69: {  	_ =	shalt  }
0x6a: {  	_ =	shalt  }
0x6b: {  	_ =	shalt  }
0x6c: {  	_ =	shalt  }
0x6d: {  	_ =	shalt  }
0x6e: {  	_ =	shalt  }
0x6f: {  	_ =	shalt  }
0x70: {  	_ =	shalt  }
0x71: {  	_ =	shalt  }
0x72: {  	_ =	shalt  }
0x73: {  	_ =	shalt  }
0x74: {  	_ =	shalt  }
0x75: {  	_ =	shalt  }
0x76: {  	_ =	shalt  }
0x77: {  	_ =	shalt  }
0x78: {  	_ =	shalt  }
0x79: {  	_ =	shalt  }
0x7a: {  	_ =	shalt  }
0x7b: {  	_ =	shalt  }
0x7c: {  	_ =	shalt  }
0x7d: {  	_ =	shalt  }
0x7e: {  	_ =	shalt  }
0x7f: {  	_ =	shalt  }
0x80: {  	_ =	shalt  }
0x81: {  	_ =	shalt  }
0x82: {  	_ =	shalt  }
0x83: {  	_ =	shalt  }
0x84: {  	_ =	shalt  }
0x85: {  	_ =	shalt  }
0x86: {  	_ =	shalt  }
0x87: {  	_ =	shalt  }
.Lfunc_end0:
.L_simem_size_0:
called_computation_lowered:
.L_overlay_start_0:
0x88: {  	s2 =	sld [smem:$0x3FD9]  }
0x89: {  	s3 =	sld [smem:$0x3FFE];
	_ =	sdelay $0x1  }
0x8a: {  	s1 =	srdreg.scid  }
0x8b: {  	s0 =	sand.u32 $0x1, s1  }
0x8c: {  	s17 =	sshll.u32 s0, $0xA;
	s2 =	sadd.s32 s3, s2  }
0x8d: {  	s2 =	sadd.s32 s2, s17  }
0x8e: {  	[smem:$0x3FC6] =	sst s2  }
0x8f: {  	_ = 	snop  }
0x90: {  	s2 =	sld [smem:$0x3FC9]  }
0x91: {  	s18 =	sld [smem:$0x3FC8]  }
0x92: {  	s4 =	sld [smem:$0x3FD0];
	(tm) =	ssettm $0x1  }
0x93: {  	s5 =	sld [smem:$0x3FFB];
	_ =	sdelay $0x3  }
0x94: {  	_ =	strace s5  }
0x95: {  	s5 =	sld [smem:$0x3FFC];
	_ =	sdelay $0x3  }
0x96: {  	_ =	strace s5  }
0x97: {  	s5 =	sld [smem:$0x3FFD];
	_ =	sdelay $0x3  }
0x98: {  	_ =	strace s5  }
0x99: {  	_ =	strace $0x8FFFFFFF  }
0x9a: {  	s19 =	sld [smem:$0x3FDB];
	_ =	sdelay $0x1  }
0x9b: {  	s6 =	simm.s32 $_scs_section_size  }
0x9c: {  	s7 =	simm.s32 $_size__tile_overlayer_lowered;
	s8 =	simm.s32 $_tile_overlayer_lowered  }
0x9d: {  	s22 =	simm.s32 $0x1BFF;
	s21 =	sshll.u32 s8, $0x1;
	s5 =	sadd.s32 s6, s19  }
0x9e: {  	s9 =	simm.s32 $0x0;
	s20 =	sshll.u32 s7, $0x1;
	s7 =	sadd.s32 s21, s5  }
0x9f: {  	[timem:s9], [sflag:s22] =	dma.local [hbm:s7], s20  }
0xa0: {  	_ =	swait.ge [sflag:s22], s20  }
0xa1: {  	s6 =	ssub.s32 $0x0, s20;
	[sflag:s22] =	ssyncset.done $0x0  }
0xa2: {  	[sflag:s22] =	ssyncadd.s32 s6;
	_ =	sdelay $0x1  }
0xa3: {  	s23 =	simm.s32 $0x1B8B  }
0xa4: {  	_ =	swait.ge [sflag:s23], $0x1  }
0xa5: {  	[sflag:s23] =	ssyncset.done $0x0  }
0xa6: {  	s25 =	simm.s32 $0x1B8E;
	s24 =	sld [smem:$0x3FFE];
	[sflag:s23] =	ssyncadd.s32 $0xFFFFFFFF  }
0xa7: {  	s26 =	simm.s32 $execute0_lowered;
	[smem:$0x3FD2] =	sst s25  }
0xa8: {  	s7 =	sshll.u32 s26, $0x1;
	_ =	strace $0x80000046;
	[dreg:$0x1] =	wrdreg $0xFFFFFFFF  }
0xa9: {  	s28 =	simm.s32 $_size_execute0_lowered;
	s5 =	sadd.s32 s5, s7;
	[dreg:$0x0] =	wrdreg $0x0  }
0xaa: {  	s7 =	sshll.u32 s28, $0x1;
	[dreg:$0x2] =	wrdreg s5  }
0xab: {  	[dreg:$0x3] =	wrdreg s7  }
0xac: {  	[dreg:$0x4] =	wrdreg $0xC0  }
0xad: {  	_ =	task [dreg:s9], $0x5FFFF  }
0xae: {  	[dreg:$0x1] =	wrdreg $0xFFFFFFFF  }
0xaf: {  	[dreg:$0x0] =	wrdreg $0x60  }
0xb0: {  	[dreg:$0x2] =	wrdreg s2  }
0xb1: {  	[dreg:$0x3] =	wrdreg s18  }
0xb2: {  	[dreg:$0x4] =	wrdreg s4  }
0xb3: {  	[dreg:$0x5] =	wrdreg s24  }
0xb4: {  	[dreg:$0x6] =	wrdreg $0x9  }
0xb5: {  	_ =	task.clear_ibuf [dreg:s9], $0x7FFFF;
	_ =	strace $0x90000046  }
0xb6: {  	s29 =	simm.s32 $0x9;
	_ =	strace $0x80000048  }
0xb7: {  	_ =	swait.ge [sflag:s29], $0x1  }
0xb8: {  	[sflag:s29] =	ssyncadd.s32 $0xFFFFFFFF  }
0xb9: {  	_ =	strace $0x90000048  }
0xba: {  	_ =	sfence  }
0xbb: {  	s30 =	sld [smem:$0x0];
	_ =	sdelay $0x2  }
0xbc: {  	s31 =	sshll.u32 s1, $0xD;
	s1 =	sshrl.u32 s1, $0x2  }
0xbd: {  	s3 =	sand.u32 $0x4000, s31;
	s1 =	sadd.s32 s1, s30  }
0xbe: {  	s0 =	sor.u32 s3, s0;
	s1 =	sshll.u32 s1, $0x11  }
0xbf: {  	s0 =	sor.u32 s1, s0  }
0xc0: {  	s0 =	sadd.s32 $0x8F2B, s0  }
0xc1: {  	[sflag:s0] =	ssyncadd.remote.s32 $0x1  }
0xc2: {  	_ =	sfence.sel $0xFFFF  }
0xc3: {  	[dreg:$0x0] =	wrdreg $0xFFFFFFFF;
	(pc) =	sbr.abs _section_cstart, $3  }
0xc4: {  	[dreg:$0x1] =	wrdreg $0xFFFFFFFF  }
0xc5: {  	_ =	task.clear_ibuf [dreg:s9], $0x2FFFF;
	_ =	strace $0x9FFFFFFF  }
0xc6: {  	(tm) =	ssettm $0x7FFFFFFF  }
0xc7: {  	_ =	shalt  }
tec
execute0_lowered:
.L_overlay_start_1:
0x0: {  	(tag) =	ssettag $0x1  }
0x1: {  	s10 =	rddreg [dreg:$0x0]  }
0x2: {  	s0 =	rddreg [dreg:$0x2]  }
0x3: {  	s1 =	srdreg.scid;
	s9 =	stileid.u32  }
0x4: {  	s2 =	rddreg [dreg:$0x3];
	s4 =	simm.s32 $0x0;
	s28 =	simm.s32 $0x10180  }
0x5: {  	s29 =	simm.s32 $0x8100;
	s30 =	simm.s32 $0x2;
	s31 =	simm.s32 $0xC100  }
0x6: {  	s1 =	sand.u32 $0x1, s1;
	s3 =	sshll.u32 s9, $0x1;
	[smem:$0x7FF] =	sst s4  }
0x7: {  	p1 =	sgt.u32 s9, $0x1;
	s3 =	sor.u32 s1, s3;
	_ =	strace $0x80000047  }
0x8: {  	s1 =	ssub.s32 $0x2, s1;
	s5 =	smin.u32 s3, $0x4;
	s6 =	smul.u32 $0x1E840, s3  }
0x9: {  	s13 =	sshll.u32 s3, $0x1;
	s7 =	sshrl.u32 s1, $0x1;
	s5 =	sshll.u32 s5, $0x6  }
0xa: {  	p0 =	sne.s32 s3, $0x0;
	s3 =	simm.s32 $0x3;
	s5 =	sadd.s32 s6, s5  }
0xb: {  	s2 =	sadd.s32 s13, s2;
	s1 =	ssub.s32 s1, s7;
	s8 =	sadd.s32 $0x3FF8, s5  }
0xc: {  	s15 =	sadd.s32 $0xFFFFFFF8, s5;
	s16 =	sadd.s32 $0x7FF8, s5;
	s17 =	sshrl.u32 s5, $0x3  }
0xd: {  	s18 =	sadd.s32 $0xBFF8, s5;
	s22 =	sadd.s32 $0xFFF8, s5;
	s23 =	sadd.s32 $0x13FF8, s5  }
0xe: {  	s25 =	sadd.s32 $0x17FF8, s5;
	s5 =	sadd.s32 $0x1BFF8, s5;
	s14 =	sshrl.u32 s8, $0x3  }
0xf: {  	[dreg:$0x5] =	wrdreg s15;
	s7 =	sadd.s32 s0, s17;
	s20 =	sshrl.u32 s18, $0x3  }
0x10: {  	s24 =	sshrl.u32 s23, $0x3;
	s26 =	sshrl.u32 s5, $0x3;
	s23 =	simm.s32 $0x0  }
0x11: {  	s6 =	sadd.s32 s10, s14;
	s21 =	sadd.s32 $0x800, s7;
	s0 =	sadd.s32 s10, s20  }
0x12: {  	s11 =	sadd.s32 $0x1000, s7;
	s13 =	sadd.s32 $0x1800, s7;
	s14 =	sadd.s32 s10, s24  }
0x13: {  	vm4 =	vcmask $0x2724;
	s15 =	sadd.s32 $0x2000, s7;
	s17 =	sadd.s32 $0x2800, s7;
	[dreg:$0x6] =	wrdreg s6  }
0x14: {  	vm1 =	vcmask $0x1308;
	vm2 =	vcmask $0x338;
	vm5 =	vcmask $0x704;
	s18 =	sadd.s32 $0x3000, s7;
	s20 =	sadd.s32 $0x3800, s7;
	[dreg:$0x8] =	wrdreg s21  }
0x15: {  	vm3 =	vcmask $0x2318;
	vm6 =	vcmask $0x3328;
	vm2 =	vmor vm2, vm1;
	s24 =	simm.s32 $0x5;
	s6 =	sshrl.u32 s16, $0x3;
	[dreg:$0x9] =	wrdreg s0  }
0x16: {  	vm8 =	vcmask $0x3734;
	vm2 =	vmor vm2, vm3;
	vm3 =	vcmask $0x1714;
	s0 =	sshrl.u32 s22, $0x3;
	s21 =	sadd.s32 $0xC00, s2;
	s22 =	smax.u32 s1, $0x1  }
0x17: {  	vm1 =	vmor vm5, vm4;
	vm7 =	vmor vm5, vm3;
	vm2 =	vmor vm2, vm6;
	s19 =	sadd.s32 s10, s6;
	s12 =	sadd.s32 s10, s0;
	s0 =	sshrl.u32 s25, $0x3  }
0x18: {  	vm0 =	vcmask @!p0 $0x1F18;
	vm3 =	vmor vm7, vm8;
	vm6 =	vmor vm7, vm4;
	s25 =	simm.s32 $0x4080;
	[dreg:$0x7] =	wrdreg s19;
	s16 =	sadd.s32 s10, s0  }
0x19: {  	vm4 =	vmor vm5, vm8;
	vm5 =	vmor vm1, vm8;
	vm6 =	vmor vm6, vm8;
	s19 =	sadd.s32 s10, s26;
	s26 =	simm.s32 $0x1;
	s0 =	simm.s32 $0x4  }
.LBB2_1:
0x1a: {  	s1 =	rddreg [dreg:$0x1];
	s2 =	simm.s32 $0x10100  }
0x1b: {  	v0 =	vlaneseq.u32 @!p0;
	[tilespmem:s2], [sflag:$0x5] =	stream.linear.gather [hbm4b:s1+s4], $0x3, $0x38;
	[tilespmem:$0x10280] =	vst v63  }
0x1c: {  	s1 =	simm.s32 @!p0 $0x8;
	_ =	swait.ge [sflag:s24], $0x3  }
0x1d: {  	s1 =	simm.s32 @p0 $0x0;
	[sflag:s24] =	ssyncset.done $0x0;
	s8 =	rddreg [dreg:$0x5]  }
0x1e: {  	s2 =	sadd.s32 s1, s8;
	[sflag:s24] =	ssyncadd.s32 $0xFFFFFFFD  }
0x1f: {  	v1 =	vimm.s32 @!p0 $0x4;
	s5 =	simm.s32 @!p0 $0x0;
	s2 =	sshrl.u32 s2, $0x3;
	s9 =	rddreg [dreg:$0x0]  }
0x20: {  	[tilespmem:v0+s5+$0x0] =	vst.idx.msk @!p0 vm0, v1;
	s2 =	sadd.s32 s9, s2  }
0x21: {  	[tilespmem:s1], [sflag:$0x1] =	stream.linear.gather [hbm4b:s2+s4], $0x4008, $0x38;
	[tilespmem:$0x10280] =	vst v63  }
0x22: {  	v0 =	vld [tilespmem:$0x10100];
	_ =	sdelay $0x4  }
0x23: {  	v0 =	vadd.f32 $0.0e+00, v0;
	_ =	sdelay $0x1  }
0x24: {  	v1 =	vbroadcast v0, $0x0;
	v2 =	vbroadcast v0, $0x1  }
0x25: {  	v0 =	vbroadcast v0, $0x2  }
0x26: {  	v3 =	vsel vm1, v2, v1  }
0x27: {  	v4 =	vsel vm3, v1, v0;
	v3 =	vsel vm2, $0x0, v3  }
0x28: {  	v5 =	vsel vm1, v1, v2;
	[tilespmem:$0x10180] =	vst v3;
	v3 =	vsel vm2, $0x0, v4;
	v4 =	vsel vm4, v0, v1  }
0x29: {  	v0 =	vsel vm5, v5, v0;
	[tilespmem:$0x10190] =	vst v3;
	v3 =	vsel vm2, $0x0, v4  }
0x2a: {  	v2 =	vsel vm5, v1, v2;
	v0 =	vsel vm2, $0x0, v0;
	[tilespmem:$0x101A0] =	vst v3  }
0x2b: {  	[tilespmem:$0x101B0] =	vst v0;
	v0 =	vsel vm2, $0x0, v2  }
0x2c: {  	[tilespmem:$0x101C0] =	vst v0;
	v0 =	vnsel vm6, $0x0, v1  }
0x2d: {  	[tilespmem:$0x101D0] =	vst v0  }
0x2e: {  	[tilespmem:$0x101E0] =	vst v0  }
0x2f: {  	s10 =	rddreg [dreg:$0x6];
	[tilespmem:$0x101F0] =	vst v0  }
0x30: {  	[tilespmem:s25], [sflag:$0x2] =	stream.linear.gather [hbm4b:s10+s4], $0x4008, $0x38;
	[tilespmem:$0x10280] =	vst v63  }
0x31: {  	_ =	swait.ge [sflag:s26], $0x4008  }
0x32: {  	[sflag:s26] =	ssyncset.done $0x0  }
0x33: {  	s1 =	simm.s32 $0x0;
	[sflag:s26] =	ssyncadd.s32 $0xFFFFBFF8  }
0x34: {  	v0 =	vld [tilespmem:s1+$0x6]  }
0x35: {  	v1 =	vld [tilespmem:s1+$0x7]  }
0x36: {  	v2 =	vld [tilespmem:s1+$0x8]  }
0x37: {  	v3 =	vld [tilespmem:s1+$0x16]  }
0x38: {  	v4 =	vld [tilespmem:s1+$0x17]  }
0x39: {  	v0 =	vmul.u32 $0x14, v0  }
0x3a: {  	v6 =	vld [tilespmem:s1+$0x18];
	v1 =	vshll.u32 v1, $0x2  }
0x3b: {  	v0 =	vadd.s32 v0, v1  }
0x3c: {  	s2 =	simm.s32 $0x20;
	v9 =	vadd.s32 v2, v0;
	v0 =	vmul.u32 $0x14, v3  }
0x3d: {  	v7 =	vld [tilespmem:s2+$0x6];
	v3 =	vshll.u32 v4, $0x2  }
0x3e: {  	v1 =	vld [tilespmem:s2+$0x7];
	v0 =	vadd.s32 v0, v3  }
0x3f: {  	v5 =	vld [tilespmem:s2+$0x16];
	v6 =	vadd.s32 v6, v0  }
0x40: {  	v2 =	vld [tilespmem:s2+$0x17]  }
0x41: {  	v3 =	vld [tilespmem:s2+$0x8]  }
0x42: {  	v4 =	vld [tilespmem:s2+$0x18]  }
0x43: {  	s5 =	simm.s32 $0x100;
	v7 =	vmul.u32 $0x14, v7;
	v0 =	vimm.f32 $0.0e+00;
	v8 =	vshll.u32 v1, $0x2;
	v1 =	vld.idx.msk [tilespmem:v9+s28+$0x0], $0xffff  }
.LBB2_2:
0x44: {  	s6 =	sshra.s32 s5, $0x2;
	p2 =	sne.s32 s5, $0xFF80;
	s5 =	sadd.s32 $0x80, s5;
	v5 =	vmul.u32 $0x14, v5;
	v9 =	vld.idx.msk [tilespmem:v6+s28+$0x0], $0xffff  }
0x45: {  	v6 =	vadd.s32 v7, v8;
	v10 =	vld [tilespmem:s6+$0x6];
	v2 =	vshll.u32 v2, $0x2  }
0x46: {  	v8 =	vld [tilespmem:s6+$0x7];
	v11 =	vadd.s32 v3, v6;
	v2 =	vadd.s32 v5, v2  }
.Ltmp0:
0x47: {  	v5 =	vld [tilespmem:s6+$0x16];
	v6 =	vadd.s32 v4, v2;
	(pc) =	sbr.rel @p2 .LBB2_2-.Ltmp0, $4  }
0x48: {  	v2 =	vld [tilespmem:s6+$0x17]  }
0x49: {  	v0 =	vadd.f32 v1, v0;
	v3 =	vld [tilespmem:s6+$0x8];
	[tilespmem:s1+$0x8100] =	vst v1  }
0x4a: {  	v7 =	vmul.u32 $0x14, v10;
	v4 =	vld [tilespmem:s6+$0x18];
	[tilespmem:s1+$0x8110] =	vst v9;
	s1 =	smov.u32 s2;
	s2 =	smov.u32 s6  }
0x4b: {  	v0 =	vadd.f32 v9, v0;
	v8 =	vshll.u32 v8, $0x2;
	v1 =	vld.idx.msk [tilespmem:v11+s28+$0x0], $0xffff  }
0x4c: {  	_ =	sdelay $0x2  }
0x4d: {  	v5 =	vmul.u32 $0x14, v5  }
0x4e: {  	v6 =	vld.idx.msk [tilespmem:v6+s28+$0x0], $0xffff;
	v7 =	vadd.s32 v7, v8;
	v2 =	vshll.u32 v2, $0x2  }
0x4f: {  	v3 =	vadd.s32 v3, v7;
	v2 =	vadd.s32 v5, v2  }
0x50: {  	v2 =	vadd.s32 v4, v2;
	_ =	sdelay $0x1  }
0x51: {  	[tilespmem:s1+$0x8100] =	vst v1  }
0x52: {  	[tilespmem:s1+$0x8110] =	vst v6  }
0x53: {  	v3 =	vld.idx.msk [tilespmem:v3+s28+$0x0], $0xffff  }
0x54: {  	v5 =	vld.idx.msk [tilespmem:v2+s28+$0x0], $0xffff;
	_ =	sdelay $0x3  }
0x55: {  	[tilespmem:s2+$0x8100] =	vst v3  }
0x56: {  	s9 =	simm.s32 $0x0;
	[tilespmem:s2+$0x8110] =	vst v5  }
0x57: {  	[hbm4b:s7+s9] =	stream.linear.scatter [tilespmem:s29], [sflag:$0x3], $0x4000, $0x38;
	[tilespmem:$0x10280] =	vst v63  }
0x58: {  	s10 =	rddreg [dreg:$0x7]  }
0x59: {  	[tilespmem:s9], [sflag:$0x1] =	stream.linear.gather [hbm4b:s10+s9], $0x4008, $0x38;
	[tilespmem:$0x10280] =	vst v63  }
0x5a: {  	_ =	swait.ge [sflag:s30], $0x4008  }
0x5b: {  	[sflag:s30] =	ssyncset.done $0x0  }
0x5c: {  	s1 =	simm.s32 $0x0;
	[sflag:s30] =	ssyncadd.s32 $0xFFFFBFF8  }
0x5d: {  	v2 =	vld [tilespmem:s1+$0x4086]  }
0x5e: {  	v4 =	vld [tilespmem:s1+$0x4087]  }
0x5f: {  	v7 =	vld [tilespmem:s1+$0x4088]  }
0x60: {  	v8 =	vld [tilespmem:s1+$0x4096]  }
0x61: {  	v9 =	vld [tilespmem:s1+$0x4097];
	_ =	sdelay $0x1  }
0x62: {  	v0 =	vadd.f32 v1, v0;
	v1 =	vld [tilespmem:s1+$0x4098];
	v2 =	vmul.u32 $0x14, v2  }
0x63: {  	v4 =	vshll.u32 v4, $0x2  }
0x64: {  	v0 =	vadd.f32 v6, v0;
	s2 =	simm.s32 $0x20;
	v6 =	vmul.u32 $0x14, v8;
	v2 =	vadd.s32 v2, v4  }
0x65: {  	v10 =	vld [tilespmem:s2+$0x4086];
	v12 =	vadd.s32 v7, v2;
	v7 =	vshll.u32 v9, $0x2  }
0x66: {  	v11 =	vld [tilespmem:s2+$0x4087];
	v6 =	vadd.s32 v6, v7  }
0x67: {  	v4 =	vld [tilespmem:s2+$0x4096];
	v6 =	vadd.s32 v1, v6  }
0x68: {  	v0 =	vadd.f32 v3, v0;
	v2 =	vld [tilespmem:s2+$0x4097]  }
0x69: {  	v3 =	vld [tilespmem:s2+$0x4088]  }
0x6a: {  	v0 =	vadd.f32 v5, v0;
	v5 =	vld [tilespmem:s2+$0x4098]  }
0x6b: {  	s5 =	simm.s32 $0x100;
	v8 =	vshll.u32 v11, $0x2;
	v7 =	vmul.u32 $0x14, v10;
	v1 =	vld.idx.msk [tilespmem:v12+s28+$0x0], $0xffff  }
.LBB2_4:
0x6c: {  	s6 =	sshra.s32 s5, $0x2;
	p2 =	sne.s32 s5, $0xFF80;
	s5 =	sadd.s32 $0x80, s5;
	v4 =	vmul.u32 $0x14, v4;
	v9 =	vld.idx.msk [tilespmem:v6+s28+$0x0], $0xffff  }
0x6d: {  	v6 =	vadd.s32 v7, v8;
	v10 =	vld [tilespmem:s6+$0x4086];
	v2 =	vshll.u32 v2, $0x2  }
0x6e: {  	v8 =	vld [tilespmem:s6+$0x4087];
	v11 =	vadd.s32 v3, v6;
	v2 =	vadd.s32 v4, v2  }
.Ltmp1:
0x6f: {  	v4 =	vld [tilespmem:s6+$0x4096];
	v6 =	vadd.s32 v5, v2;
	(pc) =	sbr.rel @p2 .LBB2_4-.Ltmp1, $4  }
0x70: {  	v2 =	vld [tilespmem:s6+$0x4097]  }
0x71: {  	v0 =	vadd.f32 v1, v0;
	v3 =	vld [tilespmem:s6+$0x4088];
	[tilespmem:s1+$0xC100] =	vst v1  }
0x72: {  	v7 =	vmul.u32 $0x14, v10;
	v5 =	vld [tilespmem:s6+$0x4098];
	[tilespmem:s1+$0xC110] =	vst v9;
	s1 =	smov.u32 s2;
	s2 =	smov.u32 s6  }
0x73: {  	v0 =	vadd.f32 v9, v0;
	v8 =	vshll.u32 v8, $0x2;
	v1 =	vld.idx.msk [tilespmem:v11+s28+$0x0], $0xffff  }
0x74: {  	_ =	sdelay $0x2  }
0x75: {  	v4 =	vmul.u32 $0x14, v4  }
0x76: {  	v6 =	vld.idx.msk [tilespmem:v6+s28+$0x0], $0xffff;
	v7 =	vadd.s32 v7, v8;
	v2 =	vshll.u32 v2, $0x2  }
0x77: {  	v3 =	vadd.s32 v3, v7;
	v2 =	vadd.s32 v4, v2  }
0x78: {  	v2 =	vadd.s32 v5, v2;
	_ =	sdelay $0x1  }
0x79: {  	[tilespmem:s1+$0xC100] =	vst v1  }
0x7a: {  	[tilespmem:s1+$0xC110] =	vst v6  }
0x7b: {  	v3 =	vld.idx.msk [tilespmem:v3+s28+$0x0], $0xffff  }
0x7c: {  	v5 =	vld.idx.msk [tilespmem:v2+s28+$0x0], $0xffff;
	_ =	sdelay $0x3  }
0x7d: {  	[tilespmem:s2+$0xC100] =	vst v3  }
0x7e: {  	s8 =	simm.s32 $0x0;
	s9 =	rddreg [dreg:$0x8];
	[tilespmem:s2+$0xC110] =	vst v5  }
0x7f: {  	[hbm4b:s9+s8] =	stream.linear.scatter [tilespmem:s31], [sflag:$0x4], $0x4000, $0x38;
	[tilespmem:$0x10280] =	vst v63  }
0x80: {  	s10 =	rddreg [dreg:$0x9]  }
0x81: {  	[tilespmem:s25], [sflag:$0x2] =	stream.linear.gather [hbm4b:s10+s8], $0x4008, $0x38;
	[tilespmem:$0x10280] =	vst v63  }
0x82: {  	_ =	swait.ge [sflag:s26], $0x4008  }
0x83: {  	[sflag:s26] =	ssyncset.done $0x0  }
0x84: {  	[sflag:s26] =	ssyncadd.s32 $0xFFFFBFF8  }
0x85: {  	_ =	swait.ge [sflag:s3], $0x4000  }
0x86: {  	[sflag:s3] =	ssyncset.done $0x0  }
0x87: {  	s1 =	simm.s32 $0x0;
	[sflag:s3] =	ssyncadd.s32 $0xFFFFC000  }
0x88: {  	v2 =	vld [tilespmem:s1+$0x6]  }
0x89: {  	v4 =	vld [tilespmem:s1+$0x7]  }
0x8a: {  	v7 =	vld [tilespmem:s1+$0x8]  }
0x8b: {  	v8 =	vld [tilespmem:s1+$0x16]  }
0x8c: {  	v9 =	vld [tilespmem:s1+$0x17];
	_ =	sdelay $0x1  }
0x8d: {  	v0 =	vadd.f32 v1, v0;
	v1 =	vld [tilespmem:s1+$0x18];
	v2 =	vmul.u32 $0x14, v2  }
0x8e: {  	v4 =	vshll.u32 v4, $0x2  }
0x8f: {  	v0 =	vadd.f32 v6, v0;
	s2 =	simm.s32 $0x20;
	v6 =	vmul.u32 $0x14, v8;
	v2 =	vadd.s32 v2, v4  }
0x90: {  	v10 =	vld [tilespmem:s2+$0x6];
	v12 =	vadd.s32 v7, v2;
	v7 =	vshll.u32 v9, $0x2  }
0x91: {  	v11 =	vld [tilespmem:s2+$0x7];
	v6 =	vadd.s32 v6, v7  }
0x92: {  	v4 =	vld [tilespmem:s2+$0x16];
	v6 =	vadd.s32 v1, v6  }
0x93: {  	v0 =	vadd.f32 v3, v0;
	v2 =	vld [tilespmem:s2+$0x17]  }
0x94: {  	v3 =	vld [tilespmem:s2+$0x8]  }
0x95: {  	v0 =	vadd.f32 v5, v0;
	v5 =	vld [tilespmem:s2+$0x18]  }
0x96: {  	s5 =	simm.s32 $0x100;
	v8 =	vshll.u32 v11, $0x2;
	v7 =	vmul.u32 $0x14, v10;
	v1 =	vld.idx.msk [tilespmem:v12+s28+$0x0], $0xffff  }
.LBB2_6:
0x97: {  	s6 =	sshra.s32 s5, $0x2;
	p2 =	sne.s32 s5, $0xFF80;
	s5 =	sadd.s32 $0x80, s5;
	v4 =	vmul.u32 $0x14, v4;
	v9 =	vld.idx.msk [tilespmem:v6+s28+$0x0], $0xffff  }
0x98: {  	v6 =	vadd.s32 v7, v8;
	v10 =	vld [tilespmem:s6+$0x6];
	v2 =	vshll.u32 v2, $0x2  }
0x99: {  	v8 =	vld [tilespmem:s6+$0x7];
	v11 =	vadd.s32 v3, v6;
	v2 =	vadd.s32 v4, v2  }
.Ltmp2:
0x9a: {  	v4 =	vld [tilespmem:s6+$0x16];
	v6 =	vadd.s32 v5, v2;
	(pc) =	sbr.rel @p2 .LBB2_6-.Ltmp2, $4  }
0x9b: {  	v2 =	vld [tilespmem:s6+$0x17]  }
0x9c: {  	v0 =	vadd.f32 v1, v0;
	v3 =	vld [tilespmem:s6+$0x8];
	[tilespmem:s1+$0x8100] =	vst v1  }
0x9d: {  	v7 =	vmul.u32 $0x14, v10;
	v5 =	vld [tilespmem:s6+$0x18];
	[tilespmem:s1+$0x8110] =	vst v9;
	s1 =	smov.u32 s2;
	s2 =	smov.u32 s6  }
0x9e: {  	v0 =	vadd.f32 v9, v0;
	v8 =	vshll.u32 v8, $0x2;
	v1 =	vld.idx.msk [tilespmem:v11+s28+$0x0], $0xffff  }
0x9f: {  	_ =	sdelay $0x2  }
0xa0: {  	v4 =	vmul.u32 $0x14, v4  }
0xa1: {  	v6 =	vld.idx.msk [tilespmem:v6+s28+$0x0], $0xffff;
	v7 =	vadd.s32 v7, v8;
	v2 =	vshll.u32 v2, $0x2  }
0xa2: {  	v3 =	vadd.s32 v3, v7;
	v2 =	vadd.s32 v4, v2  }
0xa3: {  	v2 =	vadd.s32 v5, v2;
	_ =	sdelay $0x1  }
0xa4: {  	[tilespmem:s1+$0x8100] =	vst v1  }
0xa5: {  	[tilespmem:s1+$0x8110] =	vst v6  }
0xa6: {  	v3 =	vld.idx.msk [tilespmem:v3+s28+$0x0], $0xffff  }
0xa7: {  	v5 =	vld.idx.msk [tilespmem:v2+s28+$0x0], $0xffff;
	_ =	sdelay $0x3  }
0xa8: {  	[tilespmem:s2+$0x8100] =	vst v3  }
0xa9: {  	s10 =	simm.s32 $0x0;
	[tilespmem:s2+$0x8110] =	vst v5  }
0xaa: {  	[hbm4b:s11+s10] =	stream.linear.scatter [tilespmem:s29], [sflag:$0x3], $0x4000, $0x38;
	[tilespmem:$0x10280] =	vst v63  }
0xab: {  	_ = 	snop  }
0xac: {  	[tilespmem:s10], [sflag:$0x1] =	stream.linear.gather [hbm4b:s12+s10], $0x4008, $0x38;
	[tilespmem:$0x10280] =	vst v63  }
0xad: {  	_ =	swait.ge [sflag:s30], $0x4008  }
0xae: {  	[sflag:s30] =	ssyncset.done $0x0  }
0xaf: {  	[sflag:s30] =	ssyncadd.s32 $0xFFFFBFF8  }
0xb0: {  	_ =	swait.ge [sflag:s0], $0x4000  }
0xb1: {  	[sflag:s0] =	ssyncset.done $0x0  }
0xb2: {  	s1 =	simm.s32 $0x0;
	[sflag:s0] =	ssyncadd.s32 $0xFFFFC000  }
0xb3: {  	v2 =	vld [tilespmem:s1+$0x4086]  }
0xb4: {  	v4 =	vld [tilespmem:s1+$0x4087]  }
0xb5: {  	v7 =	vld [tilespmem:s1+$0x4088]  }
0xb6: {  	v8 =	vld [tilespmem:s1+$0x4096]  }
0xb7: {  	v9 =	vld [tilespmem:s1+$0x4097];
	_ =	sdelay $0x1  }
0xb8: {  	v0 =	vadd.f32 v1, v0;
	v1 =	vld [tilespmem:s1+$0x4098];
	v2 =	vmul.u32 $0x14, v2  }
0xb9: {  	v4 =	vshll.u32 v4, $0x2  }
0xba: {  	v0 =	vadd.f32 v6, v0;
	s2 =	simm.s32 $0x20;
	v6 =	vmul.u32 $0x14, v8;
	v2 =	vadd.s32 v2, v4  }
0xbb: {  	v10 =	vld [tilespmem:s2+$0x4086];
	v12 =	vadd.s32 v7, v2;
	v7 =	vshll.u32 v9, $0x2  }
0xbc: {  	v11 =	vld [tilespmem:s2+$0x4087];
	v6 =	vadd.s32 v6, v7  }
0xbd: {  	v4 =	vld [tilespmem:s2+$0x4096];
	v6 =	vadd.s32 v1, v6  }
0xbe: {  	v0 =	vadd.f32 v3, v0;
	v2 =	vld [tilespmem:s2+$0x4097]  }
0xbf: {  	v3 =	vld [tilespmem:s2+$0x4088]  }
0xc0: {  	v0 =	vadd.f32 v5, v0;
	v5 =	vld [tilespmem:s2+$0x4098]  }
0xc1: {  	s5 =	simm.s32 $0x100;
	v8 =	vshll.u32 v11, $0x2;
	v7 =	vmul.u32 $0x14, v10;
	v1 =	vld.idx.msk [tilespmem:v12+s28+$0x0], $0xffff  }
.LBB2_8:
0xc2: {  	s6 =	sshra.s32 s5, $0x2;
	p2 =	sne.s32 s5, $0xFF80;
	s5 =	sadd.s32 $0x80, s5;
	v4 =	vmul.u32 $0x14, v4;
	v9 =	vld.idx.msk [tilespmem:v6+s28+$0x0], $0xffff  }
0xc3: {  	v6 =	vadd.s32 v7, v8;
	v10 =	vld [tilespmem:s6+$0x4086];
	v2 =	vshll.u32 v2, $0x2  }
0xc4: {  	v8 =	vld [tilespmem:s6+$0x4087];
	v11 =	vadd.s32 v3, v6;
	v2 =	vadd.s32 v4, v2  }
.Ltmp3:
0xc5: {  	v4 =	vld [tilespmem:s6+$0x4096];
	v6 =	vadd.s32 v5, v2;
	(pc) =	sbr.rel @p2 .LBB2_8-.Ltmp3, $4  }
0xc6: {  	v2 =	vld [tilespmem:s6+$0x4097]  }
0xc7: {  	v0 =	vadd.f32 v1, v0;
	v3 =	vld [tilespmem:s6+$0x4088];
	[tilespmem:s1+$0xC100] =	vst v1  }
0xc8: {  	v7 =	vmul.u32 $0x14, v10;
	v5 =	vld [tilespmem:s6+$0x4098];
	[tilespmem:s1+$0xC110] =	vst v9;
	s1 =	smov.u32 s2;
	s2 =	smov.u32 s6  }
0xc9: {  	v0 =	vadd.f32 v9, v0;
	v8 =	vshll.u32 v8, $0x2;
	v1 =	vld.idx.msk [tilespmem:v11+s28+$0x0], $0xffff  }
0xca: {  	_ =	sdelay $0x2  }
0xcb: {  	v4 =	vmul.u32 $0x14, v4  }
0xcc: {  	v6 =	vld.idx.msk [tilespmem:v6+s28+$0x0], $0xffff;
	v7 =	vadd.s32 v7, v8;
	v2 =	vshll.u32 v2, $0x2  }
0xcd: {  	v3 =	vadd.s32 v3, v7;
	v2 =	vadd.s32 v4, v2  }
0xce: {  	v2 =	vadd.s32 v5, v2;
	_ =	sdelay $0x1  }
0xcf: {  	[tilespmem:s1+$0xC100] =	vst v1  }
0xd0: {  	[tilespmem:s1+$0xC110] =	vst v6  }
0xd1: {  	v3 =	vld.idx.msk [tilespmem:v3+s28+$0x0], $0xffff  }
0xd2: {  	v5 =	vld.idx.msk [tilespmem:v2+s28+$0x0], $0xffff;
	_ =	sdelay $0x3  }
0xd3: {  	[tilespmem:s2+$0xC100] =	vst v3  }
0xd4: {  	s10 =	simm.s32 $0x0;
	[tilespmem:s2+$0xC110] =	vst v5  }
0xd5: {  	[hbm4b:s13+s10] =	stream.linear.scatter [tilespmem:s31], [sflag:$0x4], $0x4000, $0x38;
	[tilespmem:$0x10280] =	vst v63  }
0xd6: {  	_ = 	snop  }
0xd7: {  	[tilespmem:s25], [sflag:$0x2] =	stream.linear.gather [hbm4b:s14+s10], $0x4008, $0x38;
	[tilespmem:$0x10280] =	vst v63  }
0xd8: {  	_ =	swait.ge [sflag:s26], $0x4008  }
0xd9: {  	[sflag:s26] =	ssyncset.done $0x0  }
0xda: {  	[sflag:s26] =	ssyncadd.s32 $0xFFFFBFF8  }
0xdb: {  	_ =	swait.ge [sflag:s3], $0x4000  }
0xdc: {  	[sflag:s3] =	ssyncset.done $0x0  }
0xdd: {  	s1 =	simm.s32 $0x0;
	[sflag:s3] =	ssyncadd.s32 $0xFFFFC000  }
0xde: {  	v2 =	vld [tilespmem:s1+$0x6]  }
0xdf: {  	v4 =	vld [tilespmem:s1+$0x7]  }
0xe0: {  	v7 =	vld [tilespmem:s1+$0x8]  }
0xe1: {  	v8 =	vld [tilespmem:s1+$0x16]  }
0xe2: {  	v9 =	vld [tilespmem:s1+$0x17];
	_ =	sdelay $0x1  }
0xe3: {  	v0 =	vadd.f32 v1, v0;
	v1 =	vld [tilespmem:s1+$0x18];
	v2 =	vmul.u32 $0x14, v2  }
0xe4: {  	v4 =	vshll.u32 v4, $0x2  }
0xe5: {  	v0 =	vadd.f32 v6, v0;
	s2 =	simm.s32 $0x20;
	v6 =	vmul.u32 $0x14, v8;
	v2 =	vadd.s32 v2, v4  }
0xe6: {  	v10 =	vld [tilespmem:s2+$0x6];
	v12 =	vadd.s32 v7, v2;
	v7 =	vshll.u32 v9, $0x2  }
0xe7: {  	v11 =	vld [tilespmem:s2+$0x7];
	v6 =	vadd.s32 v6, v7  }
0xe8: {  	v4 =	vld [tilespmem:s2+$0x16];
	v6 =	vadd.s32 v1, v6  }
0xe9: {  	v0 =	vadd.f32 v3, v0;
	v2 =	vld [tilespmem:s2+$0x17]  }
0xea: {  	v3 =	vld [tilespmem:s2+$0x8]  }
0xeb: {  	v0 =	vadd.f32 v5, v0;
	v5 =	vld [tilespmem:s2+$0x18]  }
0xec: {  	s5 =	simm.s32 $0x100;
	v8 =	vshll.u32 v11, $0x2;
	v7 =	vmul.u32 $0x14, v10;
	v1 =	vld.idx.msk [tilespmem:v12+s28+$0x0], $0xffff  }
.LBB2_10:
0xed: {  	s6 =	sshra.s32 s5, $0x2;
	p2 =	sne.s32 s5, $0xFF80;
	s5 =	sadd.s32 $0x80, s5;
	v4 =	vmul.u32 $0x14, v4;
	v9 =	vld.idx.msk [tilespmem:v6+s28+$0x0], $0xffff  }
0xee: {  	v6 =	vadd.s32 v7, v8;
	v10 =	vld [tilespmem:s6+$0x6];
	v2 =	vshll.u32 v2, $0x2  }
0xef: {  	v8 =	vld [tilespmem:s6+$0x7];
	v11 =	vadd.s32 v3, v6;
	v2 =	vadd.s32 v4, v2  }
.Ltmp4:
0xf0: {  	v4 =	vld [tilespmem:s6+$0x16];
	v6 =	vadd.s32 v5, v2;
	(pc) =	sbr.rel @p2 .LBB2_10-.Ltmp4, $4  }
0xf1: {  	v2 =	vld [tilespmem:s6+$0x17]  }
0xf2: {  	v0 =	vadd.f32 v1, v0;
	v3 =	vld [tilespmem:s6+$0x8];
	[tilespmem:s1+$0x8100] =	vst v1  }
0xf3: {  	v7 =	vmul.u32 $0x14, v10;
	v5 =	vld [tilespmem:s6+$0x18];
	[tilespmem:s1+$0x8110] =	vst v9;
	s1 =	smov.u32 s2;
	s2 =	smov.u32 s6  }
0xf4: {  	v0 =	vadd.f32 v9, v0;
	v8 =	vshll.u32 v8, $0x2;
	v1 =	vld.idx.msk [tilespmem:v11+s28+$0x0], $0xffff  }
0xf5: {  	_ =	sdelay $0x2  }
0xf6: {  	v4 =	vmul.u32 $0x14, v4  }
0xf7: {  	v6 =	vld.idx.msk [tilespmem:v6+s28+$0x0], $0xffff;
	v7 =	vadd.s32 v7, v8;
	v2 =	vshll.u32 v2, $0x2  }
0xf8: {  	v3 =	vadd.s32 v3, v7;
	v2 =	vadd.s32 v4, v2  }
0xf9: {  	v2 =	vadd.s32 v5, v2;
	_ =	sdelay $0x1  }
0xfa: {  	[tilespmem:s1+$0x8100] =	vst v1  }
0xfb: {  	[tilespmem:s1+$0x8110] =	vst v6  }
0xfc: {  	v3 =	vld.idx.msk [tilespmem:v3+s28+$0x0], $0xffff  }
0xfd: {  	v5 =	vld.idx.msk [tilespmem:v2+s28+$0x0], $0xffff;
	_ =	sdelay $0x3  }
0xfe: {  	[tilespmem:s2+$0x8100] =	vst v3  }
0xff: {  	s10 =	simm.s32 $0x0;
	[tilespmem:s2+$0x8110] =	vst v5  }
0x100: {  	[hbm4b:s15+s10] =	stream.linear.scatter [tilespmem:s29], [sflag:$0x3], $0x4000, $0x38;
	[tilespmem:$0x10280] =	vst v63  }
0x101: {  	_ = 	snop  }
0x102: {  	[tilespmem:s10], [sflag:$0x1] =	stream.linear.gather [hbm4b:s16+s10], $0x4008, $0x38;
	[tilespmem:$0x10280] =	vst v63  }
0x103: {  	_ =	swait.ge [sflag:s30], $0x4008  }
0x104: {  	[sflag:s30] =	ssyncset.done $0x0  }
0x105: {  	[sflag:s30] =	ssyncadd.s32 $0xFFFFBFF8  }
0x106: {  	_ =	swait.ge [sflag:s0], $0x4000  }
0x107: {  	[sflag:s0] =	ssyncset.done $0x0  }
0x108: {  	s1 =	simm.s32 $0x0;
	[sflag:s0] =	ssyncadd.s32 $0xFFFFC000  }
0x109: {  	v2 =	vld [tilespmem:s1+$0x4086]  }
0x10a: {  	v4 =	vld [tilespmem:s1+$0x4087]  }
0x10b: {  	v7 =	vld [tilespmem:s1+$0x4088]  }
0x10c: {  	v8 =	vld [tilespmem:s1+$0x4096]  }
0x10d: {  	v9 =	vld [tilespmem:s1+$0x4097];
	_ =	sdelay $0x1  }
0x10e: {  	v0 =	vadd.f32 v1, v0;
	v1 =	vld [tilespmem:s1+$0x4098];
	v2 =	vmul.u32 $0x14, v2  }
0x10f: {  	v4 =	vshll.u32 v4, $0x2  }
0x110: {  	v0 =	vadd.f32 v6, v0;
	s2 =	simm.s32 $0x20;
	v6 =	vmul.u32 $0x14, v8;
	v2 =	vadd.s32 v2, v4  }
0x111: {  	v10 =	vld [tilespmem:s2+$0x4086];
	v12 =	vadd.s32 v7, v2;
	v7 =	vshll.u32 v9, $0x2  }
0x112: {  	v11 =	vld [tilespmem:s2+$0x4087];
	v6 =	vadd.s32 v6, v7  }
0x113: {  	v4 =	vld [tilespmem:s2+$0x4096];
	v6 =	vadd.s32 v1, v6  }
0x114: {  	v0 =	vadd.f32 v3, v0;
	v2 =	vld [tilespmem:s2+$0x4097]  }
0x115: {  	v3 =	vld [tilespmem:s2+$0x4088]  }
0x116: {  	v0 =	vadd.f32 v5, v0;
	v5 =	vld [tilespmem:s2+$0x4098]  }
0x117: {  	s5 =	simm.s32 $0x100;
	v8 =	vshll.u32 v11, $0x2;
	v7 =	vmul.u32 $0x14, v10;
	v1 =	vld.idx.msk [tilespmem:v12+s28+$0x0], $0xffff  }
.LBB2_12:
0x118: {  	s6 =	sshra.s32 s5, $0x2;
	p2 =	sne.s32 s5, $0xFF80;
	s5 =	sadd.s32 $0x80, s5;
	v4 =	vmul.u32 $0x14, v4;
	v9 =	vld.idx.msk [tilespmem:v6+s28+$0x0], $0xffff  }
0x119: {  	v6 =	vadd.s32 v7, v8;
	v10 =	vld [tilespmem:s6+$0x4086];
	v2 =	vshll.u32 v2, $0x2  }
0x11a: {  	v8 =	vld [tilespmem:s6+$0x4087];
	v11 =	vadd.s32 v3, v6;
	v2 =	vadd.s32 v4, v2  }
.Ltmp5:
0x11b: {  	v4 =	vld [tilespmem:s6+$0x4096];
	v6 =	vadd.s32 v5, v2;
	(pc) =	sbr.rel @p2 .LBB2_12-.Ltmp5, $4  }
0x11c: {  	v2 =	vld [tilespmem:s6+$0x4097]  }
0x11d: {  	v0 =	vadd.f32 v1, v0;
	v3 =	vld [tilespmem:s6+$0x4088];
	[tilespmem:s1+$0xC100] =	vst v1  }
0x11e: {  	v7 =	vmul.u32 $0x14, v10;
	v5 =	vld [tilespmem:s6+$0x4098];
	[tilespmem:s1+$0xC110] =	vst v9;
	s1 =	smov.u32 s2;
	s2 =	smov.u32 s6  }
0x11f: {  	v0 =	vadd.f32 v9, v0;
	v8 =	vshll.u32 v8, $0x2;
	v1 =	vld.idx.msk [tilespmem:v11+s28+$0x0], $0xffff  }
0x120: {  	_ =	sdelay $0x2  }
0x121: {  	v4 =	vmul.u32 $0x14, v4  }
0x122: {  	v6 =	vld.idx.msk [tilespmem:v6+s28+$0x0], $0xffff;
	v7 =	vadd.s32 v7, v8;
	v2 =	vshll.u32 v2, $0x2  }
0x123: {  	v3 =	vadd.s32 v3, v7;
	v2 =	vadd.s32 v4, v2  }
0x124: {  	v2 =	vadd.s32 v5, v2;
	_ =	sdelay $0x1  }
0x125: {  	[tilespmem:s1+$0xC100] =	vst v1  }
0x126: {  	[tilespmem:s1+$0xC110] =	vst v6  }
0x127: {  	v3 =	vld.idx.msk [tilespmem:v3+s28+$0x0], $0xffff  }
0x128: {  	v5 =	vld.idx.msk [tilespmem:v2+s28+$0x0], $0xffff;
	_ =	sdelay $0x3  }
0x129: {  	[tilespmem:s2+$0xC100] =	vst v3  }
0x12a: {  	s10 =	simm.s32 $0x0;
	[tilespmem:s2+$0xC110] =	vst v5  }
0x12b: {  	[hbm4b:s17+s10] =	stream.linear.scatter [tilespmem:s31], [sflag:$0x4], $0x4000, $0x38;
	[tilespmem:$0x10280] =	vst v63  }
0x12c: {  	_ =	swait.ge [sflag:s26], $0x4008  }
0x12d: {  	[sflag:s26] =	ssyncset.done $0x0  }
0x12e: {  	[sflag:s26] =	ssyncadd.s32 $0xFFFFBFF8  }
0x12f: {  	_ =	swait.ge [sflag:s3], $0x4000  }
0x130: {  	[sflag:s3] =	ssyncset.done $0x0  }
0x131: {  	s1 =	simm.s32 $0x0;
	[sflag:s3] =	ssyncadd.s32 $0xFFFFC000  }
0x132: {  	v2 =	vld [tilespmem:s1+$0x6]  }
0x133: {  	v4 =	vld [tilespmem:s1+$0x7]  }
0x134: {  	v7 =	vld [tilespmem:s1+$0x8]  }
0x135: {  	v8 =	vld [tilespmem:s1+$0x16]  }
0x136: {  	v9 =	vld [tilespmem:s1+$0x17];
	_ =	sdelay $0x1  }
0x137: {  	v0 =	vadd.f32 v1, v0;
	v1 =	vld [tilespmem:s1+$0x18];
	v2 =	vmul.u32 $0x14, v2  }
0x138: {  	v4 =	vshll.u32 v4, $0x2  }
0x139: {  	v0 =	vadd.f32 v6, v0;
	s2 =	simm.s32 $0x20;
	v6 =	vmul.u32 $0x14, v8;
	v2 =	vadd.s32 v2, v4  }
0x13a: {  	v10 =	vld [tilespmem:s2+$0x6];
	v12 =	vadd.s32 v7, v2;
	v7 =	vshll.u32 v9, $0x2  }
0x13b: {  	v11 =	vld [tilespmem:s2+$0x7];
	v6 =	vadd.s32 v6, v7  }
0x13c: {  	v4 =	vld [tilespmem:s2+$0x16];
	v6 =	vadd.s32 v1, v6  }
0x13d: {  	v0 =	vadd.f32 v3, v0;
	v2 =	vld [tilespmem:s2+$0x17]  }
0x13e: {  	v3 =	vld [tilespmem:s2+$0x8]  }
0x13f: {  	v0 =	vadd.f32 v5, v0;
	v5 =	vld [tilespmem:s2+$0x18]  }
0x140: {  	s5 =	simm.s32 $0x100;
	v8 =	vshll.u32 v11, $0x2;
	v7 =	vmul.u32 $0x14, v10;
	v1 =	vld.idx.msk [tilespmem:v12+s28+$0x0], $0xffff  }
.LBB2_14:
0x141: {  	s6 =	sshra.s32 s5, $0x2;
	p2 =	sne.s32 s5, $0xFF80;
	s5 =	sadd.s32 $0x80, s5;
	v4 =	vmul.u32 $0x14, v4;
	v9 =	vld.idx.msk [tilespmem:v6+s28+$0x0], $0xffff  }
0x142: {  	v6 =	vadd.s32 v7, v8;
	v10 =	vld [tilespmem:s6+$0x6];
	v2 =	vshll.u32 v2, $0x2  }
0x143: {  	v8 =	vld [tilespmem:s6+$0x7];
	v11 =	vadd.s32 v3, v6;
	v2 =	vadd.s32 v4, v2  }
.Ltmp6:
0x144: {  	v4 =	vld [tilespmem:s6+$0x16];
	v6 =	vadd.s32 v5, v2;
	(pc) =	sbr.rel @p2 .LBB2_14-.Ltmp6, $4  }
0x145: {  	v2 =	vld [tilespmem:s6+$0x17]  }
0x146: {  	v0 =	vadd.f32 v1, v0;
	v3 =	vld [tilespmem:s6+$0x8];
	[tilespmem:s1+$0x8100] =	vst v1  }
0x147: {  	v7 =	vmul.u32 $0x14, v10;
	v5 =	vld [tilespmem:s6+$0x18];
	[tilespmem:s1+$0x8110] =	vst v9;
	s1 =	smov.u32 s2;
	s2 =	smov.u32 s6  }
0x148: {  	v0 =	vadd.f32 v9, v0;
	v8 =	vshll.u32 v8, $0x2;
	v1 =	vld.idx.msk [tilespmem:v11+s28+$0x0], $0xffff  }
0x149: {  	_ =	sdelay $0x2  }
0x14a: {  	v4 =	vmul.u32 $0x14, v4  }
0x14b: {  	v6 =	vld.idx.msk [tilespmem:v6+s28+$0x0], $0xffff;
	v7 =	vadd.s32 v7, v8;
	v2 =	vshll.u32 v2, $0x2  }
0x14c: {  	v3 =	vadd.s32 v3, v7;
	v2 =	vadd.s32 v4, v2  }
0x14d: {  	v2 =	vadd.s32 v5, v2;
	_ =	sdelay $0x1  }
0x14e: {  	[tilespmem:s1+$0x8100] =	vst v1  }
0x14f: {  	[tilespmem:s1+$0x8110] =	vst v6  }
0x150: {  	v3 =	vld.idx.msk [tilespmem:v3+s28+$0x0], $0xffff  }
0x151: {  	v2 =	vld.idx.msk [tilespmem:v2+s28+$0x0], $0xffff;
	_ =	sdelay $0x3  }
0x152: {  	[tilespmem:s2+$0x8100] =	vst v3  }
0x153: {  	[tilespmem:s2+$0x8110] =	vst v2  }
0x154: {  	[hbm4b:s18+s4] =	stream.linear.scatter [tilespmem:s29], [sflag:$0x3], $0x4000, $0x38;
	[tilespmem:$0x10280] =	vst v63  }
0x155: {  	s1 =	simm.s32 @p1 $0x4080;
	s2 =	simm.s32 @p1 $0x0  }
0x156: {  	[tilespmem:s1], [sflag:$0x5] =	stream.linear.gather @p1 [hbm4b:s19+s2], $0x2848, $0x38;
	[tilespmem:$0x10280] =	vst v63  }
0x157: {  	s1 =	simm.s32 @p1 $0x5  }
0x158: {  	_ =	swait.ge @p1 [sflag:s1], $0x2848  }
0x159: {  	[sflag:s1] =	ssyncset.done @p1 $0x0  }
0x15a: {  	s6 =	simm.s32 @!p1 $0x0;
	s5 =	simm.s32 @!p1 $0x4080;
	[sflag:s1] =	ssyncadd.s32 @p1 $0xFFFFD7B8  }
0x15b: {  	[tilespmem:s5], [sflag:$0x5] =	stream.linear.gather @!p1 [hbm4b:s19+s6], $0x2888, $0x38;
	[tilespmem:$0x10280] =	vst v63  }
0x15c: {  	s5 =	simm.s32 @!p1 $0x5  }
0x15d: {  	_ =	swait.ge @!p1 [sflag:s5], $0x2888  }
0x15e: {  	[sflag:s5] =	ssyncset.done @!p1 $0x0  }
0x15f: {  	[sflag:s5] =	ssyncadd.s32 @!p1 $0xFFFFD778  }
0x160: {  	_ =	swait.ge [sflag:s0], $0x4000  }
0x161: {  	[sflag:s0] =	ssyncset.done $0x0  }
0x162: {  	s8 =	simm.s32 $0x4098;
	[sflag:s0] =	ssyncadd.s32 $0xFFFFC000  }
0x163: {  	v58 =	vld [tilespmem:s8+$0xFFFFFFEE]  }
0x164: {  	v59 =	vld [tilespmem:s8+$0xFFFFFFEF]  }
0x165: {  	v60 =	vld [tilespmem:s8+$0xFFFFFFF0]  }
0x166: {  	v61 =	vld [tilespmem:s8+$0xFFFFFFFE]  }
0x167: {  	v9 =	vld [tilespmem:s8+$0xFFFFFFFF];
	_ =	sdelay $0x1  }
0x168: {  	v62 =	vld [tilespmem:s8+$0x0];
	v4 =	vmul.u32 $0x14, v58  }
0x169: {  	v5 =	vshll.u32 v59, $0x2  }
0x16a: {  	v63 =	vmul.u32 $0x14, v61;
	v4 =	vadd.s32 v4, v5  }
0x16b: {  	v0 =	vadd.f32 v1, v0;
	v1 =	vshll.u32 v9, $0x2;
	v4 =	vadd.s32 v60, v4  }
0x16c: {  	v1 =	vadd.s32 v63, v1  }
0x16d: {  	v1 =	vadd.s32 v62, v1  }
0x16e: {  	s10 =	simm.s32 @!p1 $0x144;
	v0 =	vadd.f32 v6, v0  }
0x16f: {  	s10 =	simm.s32 @p1 $0x142  }
0x170: {  	p2 =	sne.s32 s10, $0x1;
	v0 =	vadd.f32 v3, v0;
	v4 =	vld.idx.msk [tilespmem:v4+s28+$0x0], $0xffff  }
.Ltmp7:
0x171: {  	_ = 	snop;
	(pc) =	sbr.rel @!p2 .LBB2_17-.Ltmp7, $3  }
0x172: {  	v2 =	vadd.f32 v2, v0;
	v0 =	vld.idx.msk [tilespmem:v1+s28+$0x0], $0xffff;
	_ =	sdelay $0x1  }
0x173: {  	s9 =	simm.s32 $0xC110  }
0x174: {  	s10 =	sadd.s32 $0xFFFFFFFF, s10;
	[tilespmem:s9+$0xFFFFFFF0] =	vst v4;
	v1 =	vadd.f32 v4, v2  }
.LBB2_16:
0x175: {  	_ = 	snop  }
0x176: {  	p2 =	sne.s32 s10, $0x1;
	[tilespmem:s9+$0x0] =	vst v0;
	s8 =	sadd.s32 $0x20, s8;
	s9 =	sadd.s32 $0x20, s9;
	v1 =	vadd.f32 v0, v1  }
0x177: {  	s10 =	sadd.s32 $0xFFFFFFFF, s10;
	v0 =	vld [tilespmem:s8+$0xFFFFFFFF]  }
0x178: {  	v2 =	vld [tilespmem:s8+$0xFFFFFFEE]  }
0x179: {  	v3 =	vld [tilespmem:s8+$0xFFFFFFEF]  }
0x17a: {  	v4 =	vld [tilespmem:s8+$0xFFFFFFFE]  }
0x17b: {  	v5 =	vld [tilespmem:s8+$0xFFFFFFF0];
	_ =	sdelay $0x1  }
0x17c: {  	v2 =	vmul.u32 $0x14, v2;
	v6 =	vld [tilespmem:s8+$0x0]  }
0x17d: {  	v3 =	vshll.u32 v3, $0x2  }
0x17e: {  	v2 =	vadd.s32 v2, v3;
	v3 =	vmul.u32 $0x14, v4  }
0x17f: {  	v0 =	vshll.u32 v0, $0x2;
	v2 =	vadd.s32 v5, v2  }
0x180: {  	v0 =	vadd.s32 v3, v0  }
0x181: {  	v0 =	vadd.s32 v6, v0;
	_ =	sdelay $0x2  }
0x182: {  	v2 =	vld.idx.msk [tilespmem:v2+s28+$0x0], $0xffff;
	_ =	sdelay $0x1  }
.Ltmp8:
0x183: {  	v0 =	vld.idx.msk [tilespmem:v0+s28+$0x0], $0xffff;
	(pc) =	sbr.rel @p2 .LBB2_16-.Ltmp8, $2  }
0x184: {  	_ =	sdelay $0x2  }
0x185: {  	v1 =	vadd.f32 v2, v1;
	[tilespmem:s9+$0xFFFFFFF0] =	vst v2  }
.LBB2_17:
0x186: {  	_ = 	snop  }
0x187: {  	s8 =	simm.s32 @p1 $0xC100;
	[tilespmem:s9+$0x0] =	vst v0  }
0x188: {  	[hbm4b:s20+s2] =	stream.linear.scatter @p1 [tilespmem:s8], [sflag:$0x5], $0x2840, $0x38;
	[tilespmem:$0x10280] =	vst v63  }
0x189: {  	_ =	swait.ge @p1 [sflag:s1], $0x2840  }
0x18a: {  	[sflag:s1] =	ssyncset.done @p1 $0x0  }
0x18b: {  	[sflag:s1] =	ssyncadd.s32 @p1 $0xFFFFD7C0;
	s1 =	simm.s32 @!p1 $0xC100  }
0x18c: {  	[hbm4b:s20+s6] =	stream.linear.scatter @!p1 [tilespmem:s1], [sflag:$0x5], $0x2880, $0x38;
	[tilespmem:$0x10280] =	vst v63  }
0x18d: {  	_ =	swait.ge @!p1 [sflag:s5], $0x2880  }
0x18e: {  	v63 =	vadd.f32 v0, v1;
	[sflag:s5] =	ssyncset.done @!p1 $0x0  }
0x18f: {  	[sflag:s5] =	ssyncadd.s32 @!p1 $0xFFFFD780  }
0x190: {  	s10 =	simm.s32 $0x10200;
	s23 =	sadd.s32 $0x1, s23;
	[tilespmem:$0x10200] =	vst v63  }
0x191: {  	[hbm4b:s21+s4] =	stream.linear.scatter [tilespmem:s10], [sflag:$0x5], $0x10, $0x38;
	[tilespmem:$0x10280] =	vst v63  }
0x192: {  	p2 =	sne.s32 s23, s22;
	_ =	swait.ge [sflag:s24], $0x10  }
.Ltmp9:
0x193: {  	[sflag:s24] =	ssyncset.done $0x0;
	(pc) =	sbr.rel @p2 .LBB2_1-.Ltmp9, $4  }
0x194: {  	[sflag:s24] =	ssyncadd.s32 $0xFFFFFFF0  }
0x195: {  	_ =	swait.ge [sflag:s3], $0x4000  }
0x196: {  	[sflag:s3] =	ssyncset.done $0x0  }
0x197: {  	[sflag:s3] =	ssyncadd.s32 $0xFFFFC000  }
0x198: {  	_ =	sfence.sel $0x180000  }
0x199: {  	[bflag:$0x0] =	sbarrier.arrive $0xFFFF  }
0x19a: {  	_ =	strace $0x90000047  }
0x19b: {  	s0 =	stileid.u32;
	[bflag:$0x2] =	sbarrier.arrive $0xFFFF  }
0x19c: {  	p0 =	sne.s32 s0, $0x0;
	s0 =	rddreg [dreg:$0x4]  }
0x19d: {  	s0 =	sadd.s32 @!p0 $0x100000, s0  }
0x19e: {  	[sflag:s0] =	ssyncadd.tile.s32 @!p0 $0x1;
	_ =	shalt  }
.Lfunc_end2:
_tile_overlayer_lowered:
.L_overlay_start_2:
0x19f: {  	(tag) =	ssettag $0x2  }
0x1a0: {  	s0 =	rddreg [dreg:$0x0];
	s2 =	stileid.u32  }
0x1a1: {  	s1 =	rddreg [dreg:$0x1];
	p0 =	sne.s32 s2, $0x0  }
0x1a2: {  	s3 =	rddreg [dreg:$0x2];
	[bflag:$0x3] =	sbarrier.arrive $0xFFFF;
	s2 =	simm.s32 @!p0 $0x1C05  }
0x1a3: {  	[timem:s3], [sflag:s2] =	dma.local @!p0 [hbm:s0], s1  }
0x1a4: {  	s0 =	simm.s32 @!p0 $0x5  }
0x1a5: {  	_ =	swait.ge @!p0 [sflag:s0], s1  }
0x1a6: {  	s1 =	ssub.s32 @!p0 $0x0, s1;
	[sflag:s0] =	ssyncset.done @!p0 $0x0  }
0x1a7: {  	[sflag:s0] =	ssyncadd.s32 @!p0 s1  }
0x1a8: {  	[bflag:$0x3] =	sbarrier.arrive $0xFFFF  }
0x1a9: {  	_ =	shalt  }

</sc_bundles>
